<compile_context>
chip_gen: v7x
topology: tpu7x:2x2x1
jax: 0.10.2.dev20260603
libtpu: 0.0.44.dev20260713+nightly
codegen_flags: <defaults>
</compile_context>

<pallas_src>
import jax
import jax.numpy as jnp
from jax import lax
from jax.experimental import pallas as pl
from jax.experimental.pallas import tpu as pltpu
from jax.experimental.pallas import tpu_sc as plsc

NC = 2
NS = 16
NW = NC * NS

D = 128
CHUNK = 80
NBUF = 4

TEXT_ROWS = 1024 * 50
UNIT_ROWS = 1024 * 200
T_PER_W = TEXT_ROWS // NW
U_PER_W = UNIT_ROWS // NW
T_CHUNKS = T_PER_W // CHUNK
U_CHUNKS = U_PER_W // CHUNK


def _body(text_idx, unit_idx, w_text, w_unit, out_t, out_u,
          idx_t, idx_u, buf, gsem, osem):
  wid = lax.axis_index("s") * NC + lax.axis_index("c")

  pltpu.sync_copy(text_idx.at[wid], idx_t)
  pltpu.sync_copy(unit_idx.at[wid], idx_u)

  def run_table(idx_v, nchunks, table, out, base):
    for b in range(NBUF):
      pltpu.async_copy(table.at[idx_v.at[b]], buf.at[b], gsem.at[b])

    @pl.loop(0, nchunks, step=NBUF)
    def _(j):
      for b in range(NBUF):
        c = j + b
        pltpu.make_async_copy(table.at[idx_v.at[c]], buf.at[b],
                              gsem.at[b]).wait()
        rows = out.at[pl.ds(base + c * CHUNK, CHUNK)]
        pltpu.async_copy(buf.at[b], rows, osem.at[b])

        @pl.when(c + NBUF < nchunks)
        def _():
          pltpu.make_async_copy(buf.at[b], rows, osem.at[b]).wait()
          pltpu.async_copy(table.at[idx_v.at[c + NBUF]], buf.at[b],
                           gsem.at[b])

    for b in range(NBUF):
      c = nchunks - NBUF + b
      rows = out.at[pl.ds(base + c * CHUNK, CHUNK)]
      pltpu.make_async_copy(buf.at[b], rows, osem.at[b]).wait()

  run_table(idx_t, T_CHUNKS, w_text, out_t, wid * T_PER_W)
  run_table(idx_u, U_CHUNKS, w_unit, out_u, wid * U_PER_W)


@jax.jit
def kernel(text, unit, W_text, W_unit):
  text3 = text.reshape(NW, T_CHUNKS, CHUNK)
  unit3 = unit.reshape(NW, U_CHUNKS, CHUNK)

  k = pl.kernel(
      _body,
      out_type=(
          jax.ShapeDtypeStruct((TEXT_ROWS, D), jnp.float32),
          jax.ShapeDtypeStruct((UNIT_ROWS, D), jnp.float32),
      ),
      mesh=plsc.VectorSubcoreMesh(core_axis_name="c", subcore_axis_name="s"),
      scratch_types=[
          pltpu.VMEM((T_CHUNKS, CHUNK), jnp.int32),
          pltpu.VMEM((U_CHUNKS, CHUNK), jnp.int32),
          pltpu.VMEM((NBUF, CHUNK, D), jnp.float32),
          pltpu.SemaphoreType.DMA((NBUF,)),
          pltpu.SemaphoreType.DMA((NBUF,)),
      ],
  )
  out_t, out_u = k(text3, unit3, W_text, W_unit)
  return (out_t.reshape(1024, 50, D), out_u.reshape(1024, 200, D))

# --- scband reference (transcript-rebuilt; emitter-appended) ---
"""Pipeline reference for scband-unit-y2-alignment-frontend-72000831750216 (READ-ONLY COPY).

The authoritative reference and input builder live on the scoring server;
editing this copy changes nothing except your own understanding.
"""

import jax, jax.numpy as jnp
import numpy as np

TEXT_VOCAB = 10184
UNIT_VOCAB = 10082
EMBED_DIM = 128
BATCH = 1024
TEXT_LEN = 50
UNIT_LEN = 200


def setup_inputs(seed: int = 0) -> dict:
    key = jax.random.key(seed)
    k_text, k_unit, k_wt, k_wu = jax.random.split(key, 4)
    text = jax.random.randint(k_text, (BATCH, TEXT_LEN), 0, TEXT_VOCAB, dtype=jnp.int64 if jax.config.jax_enable_x64 else jnp.int32).astype(jnp.int32)
    unit = jax.random.randint(k_unit, (BATCH, UNIT_LEN), 0, UNIT_VOCAB, dtype=jnp.int64 if jax.config.jax_enable_x64 else jnp.int32).astype(jnp.int32)
    W_text = jax.random.normal(k_wt, (TEXT_VOCAB, EMBED_DIM), dtype=jnp.float32) * (EMBED_DIM ** -0.5)
    W_unit = jax.random.normal(k_wu, (UNIT_VOCAB, EMBED_DIM), dtype=jnp.float32) * (EMBED_DIM ** -0.5)
    return {"text": text, "unit": unit, "W_text": W_text, "W_unit": W_unit}


def reference(text, unit, W_text, W_unit):
    # UnitY2AlignmentFrontend.forward: two independent embedding lookups
    embs_unit = jnp.take(W_unit, unit, axis=0)
    embs_text = jnp.take(W_text, text, axis=0)
    return (embs_text, embs_unit)

if __name__ == "__main__":
    import jax
    _d = setup_inputs()
    print(jax.jit(kernel)(*tuple(_d.values())))

</pallas_src>

<mosaic_0001>
#map = affine_map<(d0, d1) -> (0, 0, 0)>
#map1 = affine_map<(d0, d1) -> (0, 0)>
module attributes {stable_mosaic.version = 14 : i64} {
  func.func @_body(%arg0: i32, %arg1: i32, %arg2: memref<32x20x80xi32, #tpu.memory_space<hbm>>, %arg3: memref<32x80x80xi32, #tpu.memory_space<hbm>>, %arg4: memref<10184x128xf32, #tpu.memory_space<hbm>>, %arg5: memref<10082x128xf32, #tpu.memory_space<hbm>>, %arg6: memref<51200x128xf32, #tpu.memory_space<hbm>>, %arg7: memref<204800x128xf32, #tpu.memory_space<hbm>>, %arg8: memref<20x80xi32, #tpu.memory_space<vmem>>, %arg9: memref<80x80xi32, #tpu.memory_space<vmem>>, %arg10: memref<4x80x128xf32, #tpu.memory_space<vmem>>, %arg11: memref<4x!tpu.dma_semaphore, #tpu.memory_space<semaphore_mem>>, %arg12: memref<4x!tpu.dma_semaphore, #tpu.memory_space<semaphore_mem>>) attributes {dimension_semantics = [#tpu.dimension_semantics<core_parallel>, #tpu.dimension_semantics<subcore_parallel>], iteration_bounds = array<i64: 2, 16>, scalar_prefetch = 0 : i64, scratch_operands = 5 : i64, tpu.core_type = #tpu.core_type<sc_vector_subcore>, window_params = [{transform_indices = #map}, {transform_indices = #map}, {transform_indices = #map1}, {transform_indices = #map1}, {transform_indices = #map1}, {transform_indices = #map1}]} {
    %mul3A = arith.constant 2 : i32
    %mul3A_0 = arith.muli %arg1, %mul3A : i32
    %add3A = arith.addi %mul3A_0, %arg0 : i32
    "tpu.region"() ({
      %run_scoped3A = tpu.sem_alloc : memref<!tpu.dma_semaphore, #tpu.memory_space<semaphore_mem>>
      %dma_start3A_276 = arith.constant 0 : i32
      %dma_start3A_277 = arith.constant 0 : i32
      %dma_start3A_278 = tpu.memref_slice %arg2[%add3A, %dma_start3A_276, %dma_start3A_277] : memref<32x20x80xi32, #tpu.memory_space<hbm>> -> memref<1x20x80xi32, #tpu.memory_space<hbm>>
      %dma_start3A_279 = tpu.memref_squeeze %dma_start3A_278 : memref<1x20x80xi32, #tpu.memory_space<hbm>> -> memref<20x80xi32, #tpu.memory_space<hbm>>
      %dma_start3A_280 = arith.constant 0 : i32
      %dma_start3A_281 = arith.constant 0 : i32
      %dma_start3A_282 = tpu.memref_slice %arg2[%add3A, %dma_start3A_280, %dma_start3A_281] : memref<32x20x80xi32, #tpu.memory_space<hbm>> -> memref<1x20x80xi32, #tpu.memory_space<hbm>>
      %dma_start3A_283 = tpu.memref_squeeze %dma_start3A_282 : memref<1x20x80xi32, #tpu.memory_space<hbm>> -> memref<20x80xi32, #tpu.memory_space<hbm>>
      tpu.enqueue_dma source(%dma_start3A_283 : memref<20x80xi32, #tpu.memory_space<hbm>>) target(%arg8 : memref<20x80xi32, #tpu.memory_space<vmem>>) target_semaphore(%run_scoped3A : memref<!tpu.dma_semaphore, #tpu.memory_space<semaphore_mem>>)
      %dma_wait3A_284 = arith.constant 0 : i32
      %dma_wait3A_285 = arith.constant 0 : i32
      %dma_wait3A_286 = tpu.memref_slice %arg2[%add3A, %dma_wait3A_284, %dma_wait3A_285] : memref<32x20x80xi32, #tpu.memory_space<hbm>> -> memref<1x20x80xi32, #tpu.memory_space<hbm>>
      %dma_wait3A_287 = tpu.memref_squeeze %dma_wait3A_286 : memref<1x20x80xi32, #tpu.memory_space<hbm>> -> memref<20x80xi32, #tpu.memory_space<hbm>>
      %dma_wait3A_288 = arith.constant 0 : i32
      %dma_wait3A_289 = arith.constant 0 : i32
      %dma_wait3A_290 = tpu.memref_slice %arg2[%add3A, %dma_wait3A_288, %dma_wait3A_289] : memref<32x20x80xi32, #tpu.memory_space<hbm>> -> memref<1x20x80xi32, #tpu.memory_space<hbm>>
      %dma_wait3A_291 = tpu.memref_squeeze %dma_wait3A_290 : memref<1x20x80xi32, #tpu.memory_space<hbm>> -> memref<20x80xi32, #tpu.memory_space<hbm>>
      tpu.wait_dma2 semaphore(%run_scoped3A : memref<!tpu.dma_semaphore, #tpu.memory_space<semaphore_mem>>) src(%dma_wait3A_291 : memref<20x80xi32, #tpu.memory_space<hbm>>) dst(%arg8 : memref<20x80xi32, #tpu.memory_space<vmem>>)
      tpu.yield
    }) : () -> ()
    "tpu.region"() ({
      %run_scoped3A = tpu.sem_alloc : memref<!tpu.dma_semaphore, #tpu.memory_space<semaphore_mem>>
      %dma_start3A_276 = arith.constant 0 : i32
      %dma_start3A_277 = arith.constant 0 : i32
      %dma_start3A_278 = tpu.memref_slice %arg3[%add3A, %dma_start3A_276, %dma_start3A_277] : memref<32x80x80xi32, #tpu.memory_space<hbm>> -> memref<1x80x80xi32, #tpu.memory_space<hbm>>
      %dma_start3A_279 = tpu.memref_squeeze %dma_start3A_278 : memref<1x80x80xi32, #tpu.memory_space<hbm>> -> memref<80x80xi32, #tpu.memory_space<hbm>>
      %dma_start3A_280 = arith.constant 0 : i32
      %dma_start3A_281 = arith.constant 0 : i32
      %dma_start3A_282 = tpu.memref_slice %arg3[%add3A, %dma_start3A_280, %dma_start3A_281] : memref<32x80x80xi32, #tpu.memory_space<hbm>> -> memref<1x80x80xi32, #tpu.memory_space<hbm>>
      %dma_start3A_283 = tpu.memref_squeeze %dma_start3A_282 : memref<1x80x80xi32, #tpu.memory_space<hbm>> -> memref<80x80xi32, #tpu.memory_space<hbm>>
      tpu.enqueue_dma source(%dma_start3A_283 : memref<80x80xi32, #tpu.memory_space<hbm>>) target(%arg9 : memref<80x80xi32, #tpu.memory_space<vmem>>) target_semaphore(%run_scoped3A : memref<!tpu.dma_semaphore, #tpu.memory_space<semaphore_mem>>)
      %dma_wait3A_284 = arith.constant 0 : i32
      %dma_wait3A_285 = arith.constant 0 : i32
      %dma_wait3A_286 = tpu.memref_slice %arg3[%add3A, %dma_wait3A_284, %dma_wait3A_285] : memref<32x80x80xi32, #tpu.memory_space<hbm>> -> memref<1x80x80xi32, #tpu.memory_space<hbm>>
      %dma_wait3A_287 = tpu.memref_squeeze %dma_wait3A_286 : memref<1x80x80xi32, #tpu.memory_space<hbm>> -> memref<80x80xi32, #tpu.memory_space<hbm>>
      %dma_wait3A_288 = arith.constant 0 : i32
      %dma_wait3A_289 = arith.constant 0 : i32
      %dma_wait3A_290 = tpu.memref_slice %arg3[%add3A, %dma_wait3A_288, %dma_wait3A_289] : memref<32x80x80xi32, #tpu.memory_space<hbm>> -> memref<1x80x80xi32, #tpu.memory_space<hbm>>
      %dma_wait3A_291 = tpu.memref_squeeze %dma_wait3A_290 : memref<1x80x80xi32, #tpu.memory_space<hbm>> -> memref<80x80xi32, #tpu.memory_space<hbm>>
      tpu.wait_dma2 semaphore(%run_scoped3A : memref<!tpu.dma_semaphore, #tpu.memory_space<semaphore_mem>>) src(%dma_wait3A_291 : memref<80x80xi32, #tpu.memory_space<hbm>>) dst(%arg9 : memref<80x80xi32, #tpu.memory_space<vmem>>)
      tpu.yield
    }) : () -> ()
    %mul3A_1 = arith.constant 1600 : i32
    %mul3A_2 = arith.muli %add3A, %mul3A_1 : i32
    %dma_start3A = arith.constant 0 : i32
    %dma_start3A_3 = arith.constant 0 : i32
    %dma_start3A_4 = arith.constant 0 : i32
    %dma_start3A_5 = arith.constant 0 : i32
    %dma_start3A_6 = arith.constant 0 : i32
    %dma_start3A_7 = tpu.memref_slice %arg10[%dma_start3A_3, %dma_start3A_5, %dma_start3A_6] : memref<4x80x128xf32, #tpu.memory_space<vmem>> -> memref<1x80x128xf32, #tpu.memory_space<vmem>>
    %dma_start3A_8 = tpu.memref_squeeze %dma_start3A_7 : memref<1x80x128xf32, #tpu.memory_space<vmem>> -> memref<80x128xf32, #tpu.memory_space<vmem>>
    %dma_start3A_9 = arith.constant 0 : i32
    %dma_start3A_10 = tpu.memref_slice %arg8[%dma_start3A, %dma_start3A_9] : memref<20x80xi32, #tpu.memory_space<vmem>> -> memref<1x80xi32, #tpu.memory_space<vmem>>
    %dma_start3A_11 = tpu.memref_squeeze %dma_start3A_10 : memref<1x80xi32, #tpu.memory_space<vmem>> -> memref<80xi32, #tpu.memory_space<vmem>>
    %dma_start3A_12 = arith.constant 0 : i32
    %dma_start3A_13 = arith.constant 0 : i32
    %dma_start3A_14 = tpu.memref_slice %arg4[%dma_start3A_12, %dma_start3A_13] : memref<10184x128xf32, #tpu.memory_space<hbm>> -> memref<10184x128xf32, #tpu.memory_space<hbm>>
    %dma_start3A_15 = tpu.memref_slice %arg11[%dma_start3A_4] : memref<4x!tpu.dma_semaphore, #tpu.memory_space<semaphore_mem>> -> memref<1x!tpu.dma_semaphore, #tpu.memory_space<semaphore_mem>>
    %dma_start3A_16 = tpu.memref_squeeze %dma_start3A_15 : memref<1x!tpu.dma_semaphore, #tpu.memory_space<semaphore_mem>> -> memref<!tpu.dma_semaphore, #tpu.memory_space<semaphore_mem>>
    tpu.enqueue_indirect_dma source(%dma_start3A_14 : memref<10184x128xf32, #tpu.memory_space<hbm>>) target(%dma_start3A_8 : memref<80x128xf32, #tpu.memory_space<vmem>>) offsets(%dma_start3A_11 : memref<80xi32, #tpu.memory_space<vmem>>) semaphore(%dma_start3A_16 : memref<!tpu.dma_semaphore, #tpu.memory_space<semaphore_mem>>)
    %dma_start3A_17 = arith.constant 1 : i32
    %dma_start3A_18 = arith.constant 1 : i32
    %dma_start3A_19 = arith.constant 1 : i32
    %dma_start3A_20 = arith.constant 0 : i32
    %dma_start3A_21 = arith.constant 0 : i32
    %dma_start3A_22 = tpu.memref_slice %arg10[%dma_start3A_18, %dma_start3A_20, %dma_start3A_21] : memref<4x80x128xf32, #tpu.memory_space<vmem>> -> memref<1x80x128xf32, #tpu.memory_space<vmem>>
    %dma_start3A_23 = tpu.memref_squeeze %dma_start3A_22 : memref<1x80x128xf32, #tpu.memory_space<vmem>> -> memref<80x128xf32, #tpu.memory_space<vmem>>
    %dma_start3A_24 = arith.constant 0 : i32
    %dma_start3A_25 = tpu.memref_slice %arg8[%dma_start3A_17, %dma_start3A_24] : memref<20x80xi32, #tpu.memory_space<vmem>> -> memref<1x80xi32, #tpu.memory_space<vmem>>
    %dma_start3A_26 = tpu.memref_squeeze %dma_start3A_25 : memref<1x80xi32, #tpu.memory_space<vmem>> -> memref<80xi32, #tpu.memory_space<vmem>>
    %dma_start3A_27 = arith.constant 0 : i32
    %dma_start3A_28 = arith.constant 0 : i32
    %dma_start3A_29 = tpu.memref_slice %arg4[%dma_start3A_27, %dma_start3A_28] : memref<10184x128xf32, #tpu.memory_space<hbm>> -> memref<10184x128xf32, #tpu.memory_space<hbm>>
    %dma_start3A_30 = tpu.memref_slice %arg11[%dma_start3A_19] : memref<4x!tpu.dma_semaphore, #tpu.memory_space<semaphore_mem>> -> memref<1x!tpu.dma_semaphore, #tpu.memory_space<semaphore_mem>>
    %dma_start3A_31 = tpu.memref_squeeze %dma_start3A_30 : memref<1x!tpu.dma_semaphore, #tpu.memory_space<semaphore_mem>> -> memref<!tpu.dma_semaphore, #tpu.memory_space<semaphore_mem>>
    tpu.enqueue_indirect_dma source(%dma_start3A_29 : memref<10184x128xf32, #tpu.memory_space<hbm>>) target(%dma_start3A_23 : memref<80x128xf32, #tpu.memory_space<vmem>>) offsets(%dma_start3A_26 : memref<80xi32, #tpu.memory_space<vmem>>) semaphore(%dma_start3A_31 : memref<!tpu.dma_semaphore, #tpu.memory_space<semaphore_mem>>)
    %dma_start3A_32 = arith.constant 2 : i32
    %dma_start3A_33 = arith.constant 2 : i32
    %dma_start3A_34 = arith.constant 2 : i32
    %dma_start3A_35 = arith.constant 0 : i32
    %dma_start3A_36 = arith.constant 0 : i32
    %dma_start3A_37 = tpu.memref_slice %arg10[%dma_start3A_33, %dma_start3A_35, %dma_start3A_36] : memref<4x80x128xf32, #tpu.memory_space<vmem>> -> memref<1x80x128xf32, #tpu.memory_space<vmem>>
    %dma_start3A_38 = tpu.memref_squeeze %dma_start3A_37 : memref<1x80x128xf32, #tpu.memory_space<vmem>> -> memref<80x128xf32, #tpu.memory_space<vmem>>
    %dma_start3A_39 = arith.constant 0 : i32
    %dma_start3A_40 = tpu.memref_slice %arg8[%dma_start3A_32, %dma_start3A_39] : memref<20x80xi32, #tpu.memory_space<vmem>> -> memref<1x80xi32, #tpu.memory_space<vmem>>
    %dma_start3A_41 = tpu.memref_squeeze %dma_start3A_40 : memref<1x80xi32, #tpu.memory_space<vmem>> -> memref<80xi32, #tpu.memory_space<vmem>>
    %dma_start3A_42 = arith.constant 0 : i32
    %dma_start3A_43 = arith.constant 0 : i32
    %dma_start3A_44 = tpu.memref_slice %arg4[%dma_start3A_42, %dma_start3A_43] : memref<10184x128xf32, #tpu.memory_space<hbm>> -> memref<10184x128xf32, #tpu.memory_space<hbm>>
    %dma_start3A_45 = tpu.memref_slice %arg11[%dma_start3A_34] : memref<4x!tpu.dma_semaphore, #tpu.memory_space<semaphore_mem>> -> memref<1x!tpu.dma_semaphore, #tpu.memory_space<semaphore_mem>>
    %dma_start3A_46 = tpu.memref_squeeze %dma_start3A_45 : memref<1x!tpu.dma_semaphore, #tpu.memory_space<semaphore_mem>> -> memref<!tpu.dma_semaphore, #tpu.memory_space<semaphore_mem>>
    tpu.enqueue_indirect_dma source(%dma_start3A_44 : memref<10184x128xf32, #tpu.memory_space<hbm>>) target(%dma_start3A_38 : memref<80x128xf32, #tpu.memory_space<vmem>>) offsets(%dma_start3A_41 : memref<80xi32, #tpu.memory_space<vmem>>) semaphore(%dma_start3A_46 : memref<!tpu.dma_semaphore, #tpu.memory_space<semaphore_mem>>)
    %dma_start3A_47 = arith.constant 3 : i32
    %dma_start3A_48 = arith.constant 3 : i32
    %dma_start3A_49 = arith.constant 3 : i32
    %dma_start3A_50 = arith.constant 0 : i32
    %dma_start3A_51 = arith.constant 0 : i32
    %dma_start3A_52 = tpu.memref_slice %arg10[%dma_start3A_48, %dma_start3A_50, %dma_start3A_51] : memref<4x80x128xf32, #tpu.memory_space<vmem>> -> memref<1x80x128xf32, #tpu.memory_space<vmem>>
    %dma_start3A_53 = tpu.memref_squeeze %dma_start3A_52 : memref<1x80x128xf32, #tpu.memory_space<vmem>> -> memref<80x128xf32, #tpu.memory_space<vmem>>
    %dma_start3A_54 = arith.constant 0 : i32
    %dma_start3A_55 = tpu.memref_slice %arg8[%dma_start3A_47, %dma_start3A_54] : memref<20x80xi32, #tpu.memory_space<vmem>> -> memref<1x80xi32, #tpu.memory_space<vmem>>
    %dma_start3A_56 = tpu.memref_squeeze %dma_start3A_55 : memref<1x80xi32, #tpu.memory_space<vmem>> -> memref<80xi32, #tpu.memory_space<vmem>>
    %dma_start3A_57 = arith.constant 0 : i32
    %dma_start3A_58 = arith.constant 0 : i32
    %dma_start3A_59 = tpu.memref_slice %arg4[%dma_start3A_57, %dma_start3A_58] : memref<10184x128xf32, #tpu.memory_space<hbm>> -> memref<10184x128xf32, #tpu.memory_space<hbm>>
    %dma_start3A_60 = tpu.memref_slice %arg11[%dma_start3A_49] : memref<4x!tpu.dma_semaphore, #tpu.memory_space<semaphore_mem>> -> memref<1x!tpu.dma_semaphore, #tpu.memory_space<semaphore_mem>>
    %dma_start3A_61 = tpu.memref_squeeze %dma_start3A_60 : memref<1x!tpu.dma_semaphore, #tpu.memory_space<semaphore_mem>> -> memref<!tpu.dma_semaphore, #tpu.memory_space<semaphore_mem>>
    tpu.enqueue_indirect_dma source(%dma_start3A_59 : memref<10184x128xf32, #tpu.memory_space<hbm>>) target(%dma_start3A_53 : memref<80x128xf32, #tpu.memory_space<vmem>>) offsets(%dma_start3A_56 : memref<80xi32, #tpu.memory_space<vmem>>) semaphore(%dma_start3A_61 : memref<!tpu.dma_semaphore, #tpu.memory_space<semaphore_mem>>)
    %scan3A = arith.constant 0 : i32
    %scan3A_62 = arith.constant 5 : i32
    %scan3A_63 = arith.addi %scan3A, %scan3A_62 : i32
    %scan3A_64 = arith.constant 1 : i32
    scf.for %scan3A_276 = %scan3A to %scan3A_63 step %scan3A_64  : i32 {
      %mul3A_277 = arith.constant 4 : i32
      %mul3A_278 = arith.muli %scan3A_276, %mul3A_277 : i32
      %add3A_279 = arith.constant 0 : i32
      %add3A_280 = arith.addi %add3A_279, %mul3A_278 : i32
      %add3A_281 = arith.constant 0 : i32
      %add3A_282 = arith.addi %add3A_280, %add3A_281 : i32
      %dma_wait3A_283 = arith.constant 0 : i32
      %dma_wait3A_284 = arith.constant 0 : i32
      %dma_wait3A_285 = arith.constant 0 : i32
      %dma_wait3A_286 = arith.constant 0 : i32
      %dma_wait3A_287 = tpu.memref_slice %arg10[%dma_wait3A_283, %dma_wait3A_285, %dma_wait3A_286] : memref<4x80x128xf32, #tpu.memory_space<vmem>> -> memref<1x80x128xf32, #tpu.memory_space<vmem>>
      %dma_wait3A_288 = tpu.memref_squeeze %dma_wait3A_287 : memref<1x80x128xf32, #tpu.memory_space<vmem>> -> memref<80x128xf32, #tpu.memory_space<vmem>>
      %dma_wait3A_289 = arith.constant 0 : i32
      %dma_wait3A_290 = tpu.memref_slice %arg8[%add3A_282, %dma_wait3A_289] : memref<20x80xi32, #tpu.memory_space<vmem>> -> memref<1x80xi32, #tpu.memory_space<vmem>>
      %dma_wait3A_291 = tpu.memref_squeeze %dma_wait3A_290 : memref<1x80xi32, #tpu.memory_space<vmem>> -> memref<80xi32, #tpu.memory_space<vmem>>
      %dma_wait3A_292 = arith.constant 0 : i32
      %dma_wait3A_293 = arith.constant 0 : i32
      %dma_wait3A_294 = tpu.memref_slice %arg4[%dma_wait3A_292, %dma_wait3A_293] : memref<10184x128xf32, #tpu.memory_space<hbm>> -> memref<10184x128xf32, #tpu.memory_space<hbm>>
      %dma_wait3A_295 = tpu.memref_slice %arg11[%dma_wait3A_284] : memref<4x!tpu.dma_semaphore, #tpu.memory_space<semaphore_mem>> -> memref<1x!tpu.dma_semaphore, #tpu.memory_space<semaphore_mem>>
      %dma_wait3A_296 = tpu.memref_squeeze %dma_wait3A_295 : memref<1x!tpu.dma_semaphore, #tpu.memory_space<semaphore_mem>> -> memref<!tpu.dma_semaphore, #tpu.memory_space<semaphore_mem>>
      tpu.wait_indirect_dma semaphore(%dma_wait3A_296 : memref<!tpu.dma_semaphore, #tpu.memory_space<semaphore_mem>>) src(%dma_wait3A_294 : memref<10184x128xf32, #tpu.memory_space<hbm>>) dst(%dma_wait3A_288 : memref<80x128xf32, #tpu.memory_space<vmem>>)
      %mul3A_297 = arith.constant 80 : i32
      %mul3A_298 = arith.muli %add3A_282, %mul3A_297 : i32
      %add3A_299 = arith.addi %mul3A_2, %mul3A_298 : i32
      %dma_start3A_300 = arith.constant 0 : i32
      %dma_start3A_301 = arith.constant 0 : i32
      %dma_start3A_302 = arith.constant 0 : i32
      %dma_start3A_303 = arith.constant 0 : i32
      %dma_start3A_304 = tpu.memref_slice %arg10[%dma_start3A_300, %dma_start3A_302, %dma_start3A_303] : memref<4x80x128xf32, #tpu.memory_space<vmem>> -> memref<1x80x128xf32, #tpu.memory_space<vmem>>
      %dma_start3A_305 = tpu.memref_squeeze %dma_start3A_304 : memref<1x80x128xf32, #tpu.memory_space<vmem>> -> memref<80x128xf32, #tpu.memory_space<vmem>>
      %dma_start3A_306 = arith.constant 0 : i32
      %dma_start3A_307 = tpu.memref_slice %arg6[%add3A_299, %dma_start3A_306] : memref<51200x128xf32, #tpu.memory_space<hbm>> -> memref<80x128xf32, #tpu.memory_space<hbm>>
      %dma_start3A_308 = tpu.memref_slice %arg12[%dma_start3A_301] : memref<4x!tpu.dma_semaphore, #tpu.memory_space<semaphore_mem>> -> memref<1x!tpu.dma_semaphore, #tpu.memory_space<semaphore_mem>>
      %dma_start3A_309 = tpu.memref_squeeze %dma_start3A_308 : memref<1x!tpu.dma_semaphore, #tpu.memory_space<semaphore_mem>> -> memref<!tpu.dma_semaphore, #tpu.memory_space<semaphore_mem>>
      %dma_start3A_310 = arith.constant 0 : i32
      %dma_start3A_311 = tpu.memref_slice %arg6[%add3A_299, %dma_start3A_310] : memref<51200x128xf32, #tpu.memory_space<hbm>> -> memref<80x128xf32, #tpu.memory_space<hbm>>
      %dma_start3A_312 = arith.constant 0 : i32
      %dma_start3A_313 = arith.constant 0 : i32
      %dma_start3A_314 = tpu.memref_slice %arg10[%dma_start3A_300, %dma_start3A_312, %dma_start3A_313] : memref<4x80x128xf32, #tpu.memory_space<vmem>> -> memref<1x80x128xf32, #tpu.memory_space<vmem>>
      %dma_start3A_315 = tpu.memref_squeeze %dma_start3A_314 : memref<1x80x128xf32, #tpu.memory_space<vmem>> -> memref<80x128xf32, #tpu.memory_space<vmem>>
      tpu.enqueue_dma source(%dma_start3A_315 : memref<80x128xf32, #tpu.memory_space<vmem>>) target(%dma_start3A_311 : memref<80x128xf32, #tpu.memory_space<hbm>>) target_semaphore(%dma_start3A_309 : memref<!tpu.dma_semaphore, #tpu.memory_space<semaphore_mem>>)
      %add3A_316 = arith.constant 4 : i32
      %add3A_317 = arith.addi %add3A_282, %add3A_316 : i32
      %lt3A = arith.constant 20 : i32
      %lt3A_318 = arith.cmpi slt, %add3A_317, %lt3A : i32
      %convert_element_type3A = arith.extui %lt3A_318 : i1 to i32
      %cond3A = arith.constant 0 : i32
      %cond3A_319 = arith.cmpi ne, %convert_element_type3A, %cond3A : i32
      scf.if %cond3A_319 {
        %dma_wait3A_446 = arith.constant 0 : i32
        %dma_wait3A_447 = arith.constant 0 : i32
        %dma_wait3A_448 = arith.constant 0 : i32
        %dma_wait3A_449 = arith.constant 0 : i32
        %dma_wait3A_450 = tpu.memref_slice %arg10[%dma_wait3A_446, %dma_wait3A_448, %dma_wait3A_449] : memref<4x80x128xf32, #tpu.memory_space<vmem>> -> memref<1x80x128xf32, #tpu.memory_space<vmem>>
        %dma_wait3A_451 = tpu.memref_squeeze %dma_wait3A_450 : memref<1x80x128xf32, #tpu.memory_space<vmem>> -> memref<80x128xf32, #tpu.memory_space<vmem>>
        %dma_wait3A_452 = arith.constant 0 : i32
        %dma_wait3A_453 = tpu.memref_slice %arg6[%add3A_299, %dma_wait3A_452] : memref<51200x128xf32, #tpu.memory_space<hbm>> -> memref<80x128xf32, #tpu.memory_space<hbm>>
        %dma_wait3A_454 = tpu.memref_slice %arg12[%dma_wait3A_447] : memref<4x!tpu.dma_semaphore, #tpu.memory_space<semaphore_mem>> -> memref<1x!tpu.dma_semaphore, #tpu.memory_space<semaphore_mem>>
        %dma_wait3A_455 = tpu.memref_squeeze %dma_wait3A_454 : memref<1x!tpu.dma_semaphore, #tpu.memory_space<semaphore_mem>> -> memref<!tpu.dma_semaphore, #tpu.memory_space<semaphore_mem>>
        %dma_wait3A_456 = arith.constant 0 : i32
        %dma_wait3A_457 = tpu.memref_slice %arg6[%add3A_299, %dma_wait3A_456] : memref<51200x128xf32, #tpu.memory_space<hbm>> -> memref<80x128xf32, #tpu.memory_space<hbm>>
        %dma_wait3A_458 = arith.constant 0 : i32
        %dma_wait3A_459 = arith.constant 0 : i32
        %dma_wait3A_460 = tpu.memref_slice %arg10[%dma_wait3A_446, %dma_wait3A_458, %dma_wait3A_459] : memref<4x80x128xf32, #tpu.memory_space<vmem>> -> memref<1x80x128xf32, #tpu.memory_space<vmem>>
        %dma_wait3A_461 = tpu.memref_squeeze %dma_wait3A_460 : memref<1x80x128xf32, #tpu.memory_space<vmem>> -> memref<80x128xf32, #tpu.memory_space<vmem>>
        tpu.wait_dma2 semaphore(%dma_wait3A_455 : memref<!tpu.dma_semaphore, #tpu.memory_space<semaphore_mem>>) src(%dma_wait3A_461 : memref<80x128xf32, #tpu.memory_space<vmem>>) dst(%dma_wait3A_457 : memref<80x128xf32, #tpu.memory_space<hbm>>)
        %add3A_462 = arith.constant 4 : i32
        %add3A_463 = arith.addi %add3A_282, %add3A_462 : i32
        %dma_start3A_464 = arith.constant 0 : i32
        %dma_start3A_465 = arith.constant 0 : i32
        %dma_start3A_466 = arith.constant 0 : i32
        %dma_start3A_467 = arith.constant 0 : i32
        %dma_start3A_468 = tpu.memref_slice %arg10[%dma_start3A_464, %dma_start3A_466, %dma_start3A_467] : memref<4x80x128xf32, #tpu.memory_space<vmem>> -> memref<1x80x128xf32, #tpu.memory_space<vmem>>
        %dma_start3A_469 = tpu.memref_squeeze %dma_start3A_468 : memref<1x80x128xf32, #tpu.memory_space<vmem>> -> memref<80x128xf32, #tpu.memory_space<vmem>>
        %dma_start3A_470 = arith.constant 0 : i32
        %dma_start3A_471 = tpu.memref_slice %arg8[%add3A_463, %dma_start3A_470] : memref<20x80xi32, #tpu.memory_space<vmem>> -> memref<1x80xi32, #tpu.memory_space<vmem>>
        %dma_start3A_472 = tpu.memref_squeeze %dma_start3A_471 : memref<1x80xi32, #tpu.memory_space<vmem>> -> memref<80xi32, #tpu.memory_space<vmem>>
        %dma_start3A_473 = arith.constant 0 : i32
        %dma_start3A_474 = arith.constant 0 : i32
        %dma_start3A_475 = tpu.memref_slice %arg4[%dma_start3A_473, %dma_start3A_474] : memref<10184x128xf32, #tpu.memory_space<hbm>> -> memref<10184x128xf32, #tpu.memory_space<hbm>>
        %dma_start3A_476 = tpu.memref_slice %arg11[%dma_start3A_465] : memref<4x!tpu.dma_semaphore, #tpu.memory_space<semaphore_mem>> -> memref<1x!tpu.dma_semaphore, #tpu.memory_space<semaphore_mem>>
        %dma_start3A_477 = tpu.memref_squeeze %dma_start3A_476 : memref<1x!tpu.dma_semaphore, #tpu.memory_space<semaphore_mem>> -> memref<!tpu.dma_semaphore, #tpu.memory_space<semaphore_mem>>
        tpu.enqueue_indirect_dma source(%dma_start3A_475 : memref<10184x128xf32, #tpu.memory_space<hbm>>) target(%dma_start3A_469 : memref<80x128xf32, #tpu.memory_space<vmem>>) offsets(%dma_start3A_472 : memref<80xi32, #tpu.memory_space<vmem>>) semaphore(%dma_start3A_477 : memref<!tpu.dma_semaphore, #tpu.memory_space<semaphore_mem>>)
      } else {
      }
      %add3A_320 = arith.constant 1 : i32
      %add3A_321 = arith.addi %add3A_280, %add3A_320 : i32
      %dma_wait3A_322 = arith.constant 1 : i32
      %dma_wait3A_323 = arith.constant 1 : i32
      %dma_wait3A_324 = arith.constant 0 : i32
      %dma_wait3A_325 = arith.constant 0 : i32
      %dma_wait3A_326 = tpu.memref_slice %arg10[%dma_wait3A_322, %dma_wait3A_324, %dma_wait3A_325] : memref<4x80x128xf32, #tpu.memory_space<vmem>> -> memref<1x80x128xf32, #tpu.memory_space<vmem>>
      %dma_wait3A_327 = tpu.memref_squeeze %dma_wait3A_326 : memref<1x80x128xf32, #tpu.memory_space<vmem>> -> memref<80x128xf32, #tpu.memory_space<vmem>>
      %dma_wait3A_328 = arith.constant 0 : i32
      %dma_wait3A_329 = tpu.memref_slice %arg8[%add3A_321, %dma_wait3A_328] : memref<20x80xi32, #tpu.memory_space<vmem>> -> memref<1x80xi32, #tpu.memory_space<vmem>>
      %dma_wait3A_330 = tpu.memref_squeeze %dma_wait3A_329 : memref<1x80xi32, #tpu.memory_space<vmem>> -> memref<80xi32, #tpu.memory_space<vmem>>
      %dma_wait3A_331 = arith.constant 0 : i32
      %dma_wait3A_332 = arith.constant 0 : i32
      %dma_wait3A_333 = tpu.memref_slice %arg4[%dma_wait3A_331, %dma_wait3A_332] : memref<10184x128xf32, #tpu.memory_space<hbm>> -> memref<10184x128xf32, #tpu.memory_space<hbm>>
      %dma_wait3A_334 = tpu.memref_slice %arg11[%dma_wait3A_323] : memref<4x!tpu.dma_semaphore, #tpu.memory_space<semaphore_mem>> -> memref<1x!tpu.dma_semaphore, #tpu.memory_space<semaphore_mem>>
      %dma_wait3A_335 = tpu.memref_squeeze %dma_wait3A_334 : memref<1x!tpu.dma_semaphore, #tpu.memory_space<semaphore_mem>> -> memref<!tpu.dma_semaphore, #tpu.memory_space<semaphore_mem>>
      tpu.wait_indirect_dma semaphore(%dma_wait3A_335 : memref<!tpu.dma_semaphore, #tpu.memory_space<semaphore_mem>>) src(%dma_wait3A_333 : memref<10184x128xf32, #tpu.memory_space<hbm>>) dst(%dma_wait3A_327 : memref<80x128xf32, #tpu.memory_space<vmem>>)
      %mul3A_336 = arith.constant 80 : i32
      %mul3A_337 = arith.muli %add3A_321, %mul3A_336 : i32
      %add3A_338 = arith.addi %mul3A_2, %mul3A_337 : i32
      %dma_start3A_339 = arith.constant 1 : i32
      %dma_start3A_340 = arith.constant 1 : i32
      %dma_start3A_341 = arith.constant 0 : i32
      %dma_start3A_342 = arith.constant 0 : i32
      %dma_start3A_343 = tpu.memref_slice %arg10[%dma_start3A_339, %dma_start3A_341, %dma_start3A_342] : memref<4x80x128xf32, #tpu.memory_space<vmem>> -> memref<1x80x128xf32, #tpu.memory_space<vmem>>
      %dma_start3A_344 = tpu.memref_squeeze %dma_start3A_343 : memref<1x80x128xf32, #tpu.memory_space<vmem>> -> memref<80x128xf32, #tpu.memory_space<vmem>>
      %dma_start3A_345 = arith.constant 0 : i32
      %dma_start3A_346 = tpu.memref_slice %arg6[%add3A_338, %dma_start3A_345] : memref<51200x128xf32, #tpu.memory_space<hbm>> -> memref<80x128xf32, #tpu.memory_space<hbm>>
      %dma_start3A_347 = tpu.memref_slice %arg12[%dma_start3A_340] : memref<4x!tpu.dma_semaphore, #tpu.memory_space<semaphore_mem>> -> memref<1x!tpu.dma_semaphore, #tpu.memory_space<semaphore_mem>>
      %dma_start3A_348 = tpu.memref_squeeze %dma_start3A_347 : memref<1x!tpu.dma_semaphore, #tpu.memory_space<semaphore_mem>> -> memref<!tpu.dma_semaphore, #tpu.memory_space<semaphore_mem>>
      %dma_start3A_349 = arith.constant 0 : i32
      %dma_start3A_350 = tpu.memref_slice %arg6[%add3A_338, %dma_start3A_349] : memref<51200x128xf32, #tpu.memory_space<hbm>> -> memref<80x128xf32, #tpu.memory_space<hbm>>
      %dma_start3A_351 = arith.constant 0 : i32
      %dma_start3A_352 = arith.constant 0 : i32
      %dma_start3A_353 = tpu.memref_slice %arg10[%dma_start3A_339, %dma_start3A_351, %dma_start3A_352] : memref<4x80x128xf32, #tpu.memory_space<vmem>> -> memref<1x80x128xf32, #tpu.memory_space<vmem>>
      %dma_start3A_354 = tpu.memref_squeeze %dma_start3A_353 : memref<1x80x128xf32, #tpu.memory_space<vmem>> -> memref<80x128xf32, #tpu.memory_space<vmem>>
      tpu.enqueue_dma source(%dma_start3A_354 : memref<80x128xf32, #tpu.memory_space<vmem>>) target(%dma_start3A_350 : memref<80x128xf32, #tpu.memory_space<hbm>>) target_semaphore(%dma_start3A_348 : memref<!tpu.dma_semaphore, #tpu.memory_space<semaphore_mem>>)
      %add3A_355 = arith.constant 4 : i32
      %add3A_356 = arith.addi %add3A_321, %add3A_355 : i32
      %lt3A_357 = arith.constant 20 : i32
      %lt3A_358 = arith.cmpi slt, %add3A_356, %lt3A_357 : i32
      %convert_element_type3A_359 = arith.extui %lt3A_358 : i1 to i32
      %cond3A_360 = arith.constant 0 : i32
      %cond3A_361 = arith.cmpi ne, %convert_element_type3A_359, %cond3A_360 : i32
      scf.if %cond3A_361 {
        %dma_wait3A_446 = arith.constant 1 : i32
        %dma_wait3A_447 = arith.constant 1 : i32
        %dma_wait3A_448 = arith.constant 0 : i32
        %dma_wait3A_449 = arith.constant 0 : i32
        %dma_wait3A_450 = tpu.memref_slice %arg10[%dma_wait3A_446, %dma_wait3A_448, %dma_wait3A_449] : memref<4x80x128xf32, #tpu.memory_space<vmem>> -> memref<1x80x128xf32, #tpu.memory_space<vmem>>
        %dma_wait3A_451 = tpu.memref_squeeze %dma_wait3A_450 : memref<1x80x128xf32, #tpu.memory_space<vmem>> -> memref<80x128xf32, #tpu.memory_space<vmem>>
        %dma_wait3A_452 = arith.constant 0 : i32
        %dma_wait3A_453 = tpu.memref_slice %arg6[%add3A_338, %dma_wait3A_452] : memref<51200x128xf32, #tpu.memory_space<hbm>> -> memref<80x128xf32, #tpu.memory_space<hbm>>
        %dma_wait3A_454 = tpu.memref_slice %arg12[%dma_wait3A_447] : memref<4x!tpu.dma_semaphore, #tpu.memory_space<semaphore_mem>> -> memref<1x!tpu.dma_semaphore, #tpu.memory_space<semaphore_mem>>
        %dma_wait3A_455 = tpu.memref_squeeze %dma_wait3A_454 : memref<1x!tpu.dma_semaphore, #tpu.memory_space<semaphore_mem>> -> memref<!tpu.dma_semaphore, #tpu.memory_space<semaphore_mem>>
        %dma_wait3A_456 = arith.constant 0 : i32
        %dma_wait3A_457 = tpu.memref_slice %arg6[%add3A_338, %dma_wait3A_456] : memref<51200x128xf32, #tpu.memory_space<hbm>> -> memref<80x128xf32, #tpu.memory_space<hbm>>
        %dma_wait3A_458 = arith.constant 0 : i32
        %dma_wait3A_459 = arith.constant 0 : i32
        %dma_wait3A_460 = tpu.memref_slice %arg10[%dma_wait3A_446, %dma_wait3A_458, %dma_wait3A_459] : memref<4x80x128xf32, #tpu.memory_space<vmem>> -> memref<1x80x128xf32, #tpu.memory_space<vmem>>
        %dma_wait3A_461 = tpu.memref_squeeze %dma_wait3A_460 : memref<1x80x128xf32, #tpu.memory_space<vmem>> -> memref<80x128xf32, #tpu.memory_space<vmem>>
        tpu.wait_dma2 semaphore(%dma_wait3A_455 : memref<!tpu.dma_semaphore, #tpu.memory_space<semaphore_mem>>) src(%dma_wait3A_461 : memref<80x128xf32, #tpu.memory_space<vmem>>) dst(%dma_wait3A_457 : memref<80x128xf32, #tpu.memory_space<hbm>>)
        %add3A_462 = arith.constant 4 : i32
        %add3A_463 = arith.addi %add3A_321, %add3A_462 : i32
        %dma_start3A_464 = arith.constant 1 : i32
        %dma_start3A_465 = arith.constant 1 : i32
        %dma_start3A_466 = arith.constant 0 : i32
        %dma_start3A_467 = arith.constant 0 : i32
        %dma_start3A_468 = tpu.memref_slice %arg10[%dma_start3A_464, %dma_start3A_466, %dma_start3A_467] : memref<4x80x128xf32, #tpu.memory_space<vmem>> -> memref<1x80x128xf32, #tpu.memory_space<vmem>>
        %dma_start3A_469 = tpu.memref_squeeze %dma_start3A_468 : memref<1x80x128xf32, #tpu.memory_space<vmem>> -> memref<80x128xf32, #tpu.memory_space<vmem>>
        %dma_start3A_470 = arith.constant 0 : i32
        %dma_start3A_471 = tpu.memref_slice %arg8[%add3A_463, %dma_start3A_470] : memref<20x80xi32, #tpu.memory_space<vmem>> -> memref<1x80xi32, #tpu.memory_space<vmem>>
        %dma_start3A_472 = tpu.memref_squeeze %dma_start3A_471 : memref<1x80xi32, #tpu.memory_space<vmem>> -> memref<80xi32, #tpu.memory_space<vmem>>
        %dma_start3A_473 = arith.constant 0 : i32
        %dma_start3A_474 = arith.constant 0 : i32
        %dma_start3A_475 = tpu.memref_slice %arg4[%dma_start3A_473, %dma_start3A_474] : memref<10184x128xf32, #tpu.memory_space<hbm>> -> memref<10184x128xf32, #tpu.memory_space<hbm>>
        %dma_start3A_476 = tpu.memref_slice %arg11[%dma_start3A_465] : memref<4x!tpu.dma_semaphore, #tpu.memory_space<semaphore_mem>> -> memref<1x!tpu.dma_semaphore, #tpu.memory_space<semaphore_mem>>
        %dma_start3A_477 = tpu.memref_squeeze %dma_start3A_476 : memref<1x!tpu.dma_semaphore, #tpu.memory_space<semaphore_mem>> -> memref<!tpu.dma_semaphore, #tpu.memory_space<semaphore_mem>>
        tpu.enqueue_indirect_dma source(%dma_start3A_475 : memref<10184x128xf32, #tpu.memory_space<hbm>>) target(%dma_start3A_469 : memref<80x128xf32, #tpu.memory_space<vmem>>) offsets(%dma_start3A_472 : memref<80xi32, #tpu.memory_space<vmem>>) semaphore(%dma_start3A_477 : memref<!tpu.dma_semaphore, #tpu.memory_space<semaphore_mem>>)
      } else {
      }
      %add3A_362 = arith.constant 2 : i32
      %add3A_363 = arith.addi %add3A_280, %add3A_362 : i32
      %dma_wait3A_364 = arith.constant 2 : i32
      %dma_wait3A_365 = arith.constant 2 : i32
      %dma_wait3A_366 = arith.constant 0 : i32
      %dma_wait3A_367 = arith.constant 0 : i32
      %dma_wait3A_368 = tpu.memref_slice %arg10[%dma_wait3A_364, %dma_wait3A_366, %dma_wait3A_367] : memref<4x80x128xf32, #tpu.memory_space<vmem>> -> memref<1x80x128xf32, #tpu.memory_space<vmem>>
      %dma_wait3A_369 = tpu.memref_squeeze %dma_wait3A_368 : memref<1x80x128xf32, #tpu.memory_space<vmem>> -> memref<80x128xf32, #tpu.memory_space<vmem>>
      %dma_wait3A_370 = arith.constant 0 : i32
      %dma_wait3A_371 = tpu.memref_slice %arg8[%add3A_363, %dma_wait3A_370] : memref<20x80xi32, #tpu.memory_space<vmem>> -> memref<1x80xi32, #tpu.memory_space<vmem>>
      %dma_wait3A_372 = tpu.memref_squeeze %dma_wait3A_371 : memref<1x80xi32, #tpu.memory_space<vmem>> -> memref<80xi32, #tpu.memory_space<vmem>>
      %dma_wait3A_373 = arith.constant 0 : i32
      %dma_wait3A_374 = arith.constant 0 : i32
      %dma_wait3A_375 = tpu.memref_slice %arg4[%dma_wait3A_373, %dma_wait3A_374] : memref<10184x128xf32, #tpu.memory_space<hbm>> -> memref<10184x128xf32, #tpu.memory_space<hbm>>
      %dma_wait3A_376 = tpu.memref_slice %arg11[%dma_wait3A_365] : memref<4x!tpu.dma_semaphore, #tpu.memory_space<semaphore_mem>> -> memref<1x!tpu.dma_semaphore, #tpu.memory_space<semaphore_mem>>
      %dma_wait3A_377 = tpu.memref_squeeze %dma_wait3A_376 : memref<1x!tpu.dma_semaphore, #tpu.memory_space<semaphore_mem>> -> memref<!tpu.dma_semaphore, #tpu.memory_space<semaphore_mem>>
      tpu.wait_indirect_dma semaphore(%dma_wait3A_377 : memref<!tpu.dma_semaphore, #tpu.memory_space<semaphore_mem>>) src(%dma_wait3A_375 : memref<10184x128xf32, #tpu.memory_space<hbm>>) dst(%dma_wait3A_369 : memref<80x128xf32, #tpu.memory_space<vmem>>)
      %mul3A_378 = arith.constant 80 : i32
      %mul3A_379 = arith.muli %add3A_363, %mul3A_378 : i32
      %add3A_380 = arith.addi %mul3A_2, %mul3A_379 : i32
      %dma_start3A_381 = arith.constant 2 : i32
      %dma_start3A_382 = arith.constant 2 : i32
      %dma_start3A_383 = arith.constant 0 : i32
      %dma_start3A_384 = arith.constant 0 : i32
      %dma_start3A_385 = tpu.memref_slice %arg10[%dma_start3A_381, %dma_start3A_383, %dma_start3A_384] : memref<4x80x128xf32, #tpu.memory_space<vmem>> -> memref<1x80x128xf32, #tpu.memory_space<vmem>>
      %dma_start3A_386 = tpu.memref_squeeze %dma_start3A_385 : memref<1x80x128xf32, #tpu.memory_space<vmem>> -> memref<80x128xf32, #tpu.memory_space<vmem>>
      %dma_start3A_387 = arith.constant 0 : i32
      %dma_start3A_388 = tpu.memref_slice %arg6[%add3A_380, %dma_start3A_387] : memref<51200x128xf32, #tpu.memory_space<hbm>> -> memref<80x128xf32, #tpu.memory_space<hbm>>
      %dma_start3A_389 = tpu.memref_slice %arg12[%dma_start3A_382] : memref<4x!tpu.dma_semaphore, #tpu.memory_space<semaphore_mem>> -> memref<1x!tpu.dma_semaphore, #tpu.memory_space<semaphore_mem>>
      %dma_start3A_390 = tpu.memref_squeeze %dma_start3A_389 : memref<1x!tpu.dma_semaphore, #tpu.memory_space<semaphore_mem>> -> memref<!tpu.dma_semaphore, #tpu.memory_space<semaphore_mem>>
      %dma_start3A_391 = arith.constant 0 : i32
      %dma_start3A_392 = tpu.memref_slice %arg6[%add3A_380, %dma_start3A_391] : memref<51200x128xf32, #tpu.memory_space<hbm>> -> memref<80x128xf32, #tpu.memory_space<hbm>>
      %dma_start3A_393 = arith.constant 0 : i32
      %dma_start3A_394 = arith.constant 0 : i32
      %dma_start3A_395 = tpu.memref_slice %arg10[%dma_start3A_381, %dma_start3A_393, %dma_start3A_394] : memref<4x80x128xf32, #tpu.memory_space<vmem>> -> memref<1x80x128xf32, #tpu.memory_space<vmem>>
      %dma_start3A_396 = tpu.memref_squeeze %dma_start3A_395 : memref<1x80x128xf32, #tpu.memory_space<vmem>> -> memref<80x128xf32, #tpu.memory_space<vmem>>
      tpu.enqueue_dma source(%dma_start3A_396 : memref<80x128xf32, #tpu.memory_space<vmem>>) target(%dma_start3A_392 : memref<80x128xf32, #tpu.memory_space<hbm>>) target_semaphore(%dma_start3A_390 : memref<!tpu.dma_semaphore, #tpu.memory_space<semaphore_mem>>)
      %add3A_397 = arith.constant 4 : i32
      %add3A_398 = arith.addi %add3A_363, %add3A_397 : i32
      %lt3A_399 = arith.constant 20 : i32
      %lt3A_400 = arith.cmpi slt, %add3A_398, %lt3A_399 : i32
      %convert_element_type3A_401 = arith.extui %lt3A_400 : i1 to i32
      %cond3A_402 = arith.constant 0 : i32
      %cond3A_403 = arith.cmpi ne, %convert_element_type3A_401, %cond3A_402 : i32
      scf.if %cond3A_403 {
        %dma_wait3A_446 = arith.constant 2 : i32
        %dma_wait3A_447 = arith.constant 2 : i32
        %dma_wait3A_448 = arith.constant 0 : i32
        %dma_wait3A_449 = arith.constant 0 : i32
        %dma_wait3A_450 = tpu.memref_slice %arg10[%dma_wait3A_446, %dma_wait3A_448, %dma_wait3A_449] : memref<4x80x128xf32, #tpu.memory_space<vmem>> -> memref<1x80x128xf32, #tpu.memory_space<vmem>>
        %dma_wait3A_451 = tpu.memref_squeeze %dma_wait3A_450 : memref<1x80x128xf32, #tpu.memory_space<vmem>> -> memref<80x128xf32, #tpu.memory_space<vmem>>
        %dma_wait3A_452 = arith.constant 0 : i32
        %dma_wait3A_453 = tpu.memref_slice %arg6[%add3A_380, %dma_wait3A_452] : memref<51200x128xf32, #tpu.memory_space<hbm>> -> memref<80x128xf32, #tpu.memory_space<hbm>>
        %dma_wait3A_454 = tpu.memref_slice %arg12[%dma_wait3A_447] : memref<4x!tpu.dma_semaphore, #tpu.memory_space<semaphore_mem>> -> memref<1x!tpu.dma_semaphore, #tpu.memory_space<semaphore_mem>>
        %dma_wait3A_455 = tpu.memref_squeeze %dma_wait3A_454 : memref<1x!tpu.dma_semaphore, #tpu.memory_space<semaphore_mem>> -> memref<!tpu.dma_semaphore, #tpu.memory_space<semaphore_mem>>
        %dma_wait3A_456 = arith.constant 0 : i32
        %dma_wait3A_457 = tpu.memref_slice %arg6[%add3A_380, %dma_wait3A_456] : memref<51200x128xf32, #tpu.memory_space<hbm>> -> memref<80x128xf32, #tpu.memory_space<hbm>>
        %dma_wait3A_458 = arith.constant 0 : i32
        %dma_wait3A_459 = arith.constant 0 : i32
        %dma_wait3A_460 = tpu.memref_slice %arg10[%dma_wait3A_446, %dma_wait3A_458, %dma_wait3A_459] : memref<4x80x128xf32, #tpu.memory_space<vmem>> -> memref<1x80x128xf32, #tpu.memory_space<vmem>>
        %dma_wait3A_461 = tpu.memref_squeeze %dma_wait3A_460 : memref<1x80x128xf32, #tpu.memory_space<vmem>> -> memref<80x128xf32, #tpu.memory_space<vmem>>
        tpu.wait_dma2 semaphore(%dma_wait3A_455 : memref<!tpu.dma_semaphore, #tpu.memory_space<semaphore_mem>>) src(%dma_wait3A_461 : memref<80x128xf32, #tpu.memory_space<vmem>>) dst(%dma_wait3A_457 : memref<80x128xf32, #tpu.memory_space<hbm>>)
        %add3A_462 = arith.constant 4 : i32
        %add3A_463 = arith.addi %add3A_363, %add3A_462 : i32
        %dma_start3A_464 = arith.constant 2 : i32
        %dma_start3A_465 = arith.constant 2 : i32
        %dma_start3A_466 = arith.constant 0 : i32
        %dma_start3A_467 = arith.constant 0 : i32
        %dma_start3A_468 = tpu.memref_slice %arg10[%dma_start3A_464, %dma_start3A_466, %dma_start3A_467] : memref<4x80x128xf32, #tpu.memory_space<vmem>> -> memref<1x80x128xf32, #tpu.memory_space<vmem>>
        %dma_start3A_469 = tpu.memref_squeeze %dma_start3A_468 : memref<1x80x128xf32, #tpu.memory_space<vmem>> -> memref<80x128xf32, #tpu.memory_space<vmem>>
        %dma_start3A_470 = arith.constant 0 : i32
        %dma_start3A_471 = tpu.memref_slice %arg8[%add3A_463, %dma_start3A_470] : memref<20x80xi32, #tpu.memory_space<vmem>> -> memref<1x80xi32, #tpu.memory_space<vmem>>
        %dma_start3A_472 = tpu.memref_squeeze %dma_start3A_471 : memref<1x80xi32, #tpu.memory_space<vmem>> -> memref<80xi32, #tpu.memory_space<vmem>>
        %dma_start3A_473 = arith.constant 0 : i32
        %dma_start3A_474 = arith.constant 0 : i32
        %dma_start3A_475 = tpu.memref_slice %arg4[%dma_start3A_473, %dma_start3A_474] : memref<10184x128xf32, #tpu.memory_space<hbm>> -> memref<10184x128xf32, #tpu.memory_space<hbm>>
        %dma_start3A_476 = tpu.memref_slice %arg11[%dma_start3A_465] : memref<4x!tpu.dma_semaphore, #tpu.memory_space<semaphore_mem>> -> memref<1x!tpu.dma_semaphore, #tpu.memory_space<semaphore_mem>>
        %dma_start3A_477 = tpu.memref_squeeze %dma_start3A_476 : memref<1x!tpu.dma_semaphore, #tpu.memory_space<semaphore_mem>> -> memref<!tpu.dma_semaphore, #tpu.memory_space<semaphore_mem>>
        tpu.enqueue_indirect_dma source(%dma_start3A_475 : memref<10184x128xf32, #tpu.memory_space<hbm>>) target(%dma_start3A_469 : memref<80x128xf32, #tpu.memory_space<vmem>>) offsets(%dma_start3A_472 : memref<80xi32, #tpu.memory_space<vmem>>) semaphore(%dma_start3A_477 : memref<!tpu.dma_semaphore, #tpu.memory_space<semaphore_mem>>)
      } else {
      }
      %add3A_404 = arith.constant 3 : i32
      %add3A_405 = arith.addi %add3A_280, %add3A_404 : i32
      %dma_wait3A_406 = arith.constant 3 : i32
      %dma_wait3A_407 = arith.constant 3 : i32
      %dma_wait3A_408 = arith.constant 0 : i32
      %dma_wait3A_409 = arith.constant 0 : i32
      %dma_wait3A_410 = tpu.memref_slice %arg10[%dma_wait3A_406, %dma_wait3A_408, %dma_wait3A_409] : memref<4x80x128xf32, #tpu.memory_space<vmem>> -> memref<1x80x128xf32, #tpu.memory_space<vmem>>
      %dma_wait3A_411 = tpu.memref_squeeze %dma_wait3A_410 : memref<1x80x128xf32, #tpu.memory_space<vmem>> -> memref<80x128xf32, #tpu.memory_space<vmem>>
      %dma_wait3A_412 = arith.constant 0 : i32
      %dma_wait3A_413 = tpu.memref_slice %arg8[%add3A_405, %dma_wait3A_412] : memref<20x80xi32, #tpu.memory_space<vmem>> -> memref<1x80xi32, #tpu.memory_space<vmem>>
      %dma_wait3A_414 = tpu.memref_squeeze %dma_wait3A_413 : memref<1x80xi32, #tpu.memory_space<vmem>> -> memref<80xi32, #tpu.memory_space<vmem>>
      %dma_wait3A_415 = arith.constant 0 : i32
      %dma_wait3A_416 = arith.constant 0 : i32
      %dma_wait3A_417 = tpu.memref_slice %arg4[%dma_wait3A_415, %dma_wait3A_416] : memref<10184x128xf32, #tpu.memory_space<hbm>> -> memref<10184x128xf32, #tpu.memory_space<hbm>>
      %dma_wait3A_418 = tpu.memref_slice %arg11[%dma_wait3A_407] : memref<4x!tpu.dma_semaphore, #tpu.memory_space<semaphore_mem>> -> memref<1x!tpu.dma_semaphore, #tpu.memory_space<semaphore_mem>>
      %dma_wait3A_419 = tpu.memref_squeeze %dma_wait3A_418 : memref<1x!tpu.dma_semaphore, #tpu.memory_space<semaphore_mem>> -> memref<!tpu.dma_semaphore, #tpu.memory_space<semaphore_mem>>
      tpu.wait_indirect_dma semaphore(%dma_wait3A_419 : memref<!tpu.dma_semaphore, #tpu.memory_space<semaphore_mem>>) src(%dma_wait3A_417 : memref<10184x128xf32, #tpu.memory_space<hbm>>) dst(%dma_wait3A_411 : memref<80x128xf32, #tpu.memory_space<vmem>>)
      %mul3A_420 = arith.constant 80 : i32
      %mul3A_421 = arith.muli %add3A_405, %mul3A_420 : i32
      %add3A_422 = arith.addi %mul3A_2, %mul3A_421 : i32
      %dma_start3A_423 = arith.constant 3 : i32
      %dma_start3A_424 = arith.constant 3 : i32
      %dma_start3A_425 = arith.constant 0 : i32
      %dma_start3A_426 = arith.constant 0 : i32
      %dma_start3A_427 = tpu.memref_slice %arg10[%dma_start3A_423, %dma_start3A_425, %dma_start3A_426] : memref<4x80x128xf32, #tpu.memory_space<vmem>> -> memref<1x80x128xf32, #tpu.memory_space<vmem>>
      %dma_start3A_428 = tpu.memref_squeeze %dma_start3A_427 : memref<1x80x128xf32, #tpu.memory_space<vmem>> -> memref<80x128xf32, #tpu.memory_space<vmem>>
      %dma_start3A_429 = arith.constant 0 : i32
      %dma_start3A_430 = tpu.memref_slice %arg6[%add3A_422, %dma_start3A_429] : memref<51200x128xf32, #tpu.memory_space<hbm>> -> memref<80x128xf32, #tpu.memory_space<hbm>>
      %dma_start3A_431 = tpu.memref_slice %arg12[%dma_start3A_424] : memref<4x!tpu.dma_semaphore, #tpu.memory_space<semaphore_mem>> -> memref<1x!tpu.dma_semaphore, #tpu.memory_space<semaphore_mem>>
      %dma_start3A_432 = tpu.memref_squeeze %dma_start3A_431 : memref<1x!tpu.dma_semaphore, #tpu.memory_space<semaphore_mem>> -> memref<!tpu.dma_semaphore, #tpu.memory_space<semaphore_mem>>
      %dma_start3A_433 = arith.constant 0 : i32
      %dma_start3A_434 = tpu.memref_slice %arg6[%add3A_422, %dma_start3A_433] : memref<51200x128xf32, #tpu.memory_space<hbm>> -> memref<80x128xf32, #tpu.memory_space<hbm>>
      %dma_start3A_435 = arith.constant 0 : i32
      %dma_start3A_436 = arith.constant 0 : i32
      %dma_start3A_437 = tpu.memref_slice %arg10[%dma_start3A_423, %dma_start3A_435, %dma_start3A_436] : memref<4x80x128xf32, #tpu.memory_space<vmem>> -> memref<1x80x128xf32, #tpu.memory_space<vmem>>
      %dma_start3A_438 = tpu.memref_squeeze %dma_start3A_437 : memref<1x80x128xf32, #tpu.memory_space<vmem>> -> memref<80x128xf32, #tpu.memory_space<vmem>>
      tpu.enqueue_dma source(%dma_start3A_438 : memref<80x128xf32, #tpu.memory_space<vmem>>) target(%dma_start3A_434 : memref<80x128xf32, #tpu.memory_space<hbm>>) target_semaphore(%dma_start3A_432 : memref<!tpu.dma_semaphore, #tpu.memory_space<semaphore_mem>>)
      %add3A_439 = arith.constant 4 : i32
      %add3A_440 = arith.addi %add3A_405, %add3A_439 : i32
      %lt3A_441 = arith.constant 20 : i32
      %lt3A_442 = arith.cmpi slt, %add3A_440, %lt3A_441 : i32
      %convert_element_type3A_443 = arith.extui %lt3A_442 : i1 to i32
      %cond3A_444 = arith.constant 0 : i32
      %cond3A_445 = arith.cmpi ne, %convert_element_type3A_443, %cond3A_444 : i32
      scf.if %cond3A_445 {
        %dma_wait3A_446 = arith.constant 3 : i32
        %dma_wait3A_447 = arith.constant 3 : i32
        %dma_wait3A_448 = arith.constant 0 : i32
        %dma_wait3A_449 = arith.constant 0 : i32
        %dma_wait3A_450 = tpu.memref_slice %arg10[%dma_wait3A_446, %dma_wait3A_448, %dma_wait3A_449] : memref<4x80x128xf32, #tpu.memory_space<vmem>> -> memref<1x80x128xf32, #tpu.memory_space<vmem>>
        %dma_wait3A_451 = tpu.memref_squeeze %dma_wait3A_450 : memref<1x80x128xf32, #tpu.memory_space<vmem>> -> memref<80x128xf32, #tpu.memory_space<vmem>>
        %dma_wait3A_452 = arith.constant 0 : i32
        %dma_wait3A_453 = tpu.memref_slice %arg6[%add3A_422, %dma_wait3A_452] : memref<51200x128xf32, #tpu.memory_space<hbm>> -> memref<80x128xf32, #tpu.memory_space<hbm>>
        %dma_wait3A_454 = tpu.memref_slice %arg12[%dma_wait3A_447] : memref<4x!tpu.dma_semaphore, #tpu.memory_space<semaphore_mem>> -> memref<1x!tpu.dma_semaphore, #tpu.memory_space<semaphore_mem>>
        %dma_wait3A_455 = tpu.memref_squeeze %dma_wait3A_454 : memref<1x!tpu.dma_semaphore, #tpu.memory_space<semaphore_mem>> -> memref<!tpu.dma_semaphore, #tpu.memory_space<semaphore_mem>>
        %dma_wait3A_456 = arith.constant 0 : i32
        %dma_wait3A_457 = tpu.memref_slice %arg6[%add3A_422, %dma_wait3A_456] : memref<51200x128xf32, #tpu.memory_space<hbm>> -> memref<80x128xf32, #tpu.memory_space<hbm>>
        %dma_wait3A_458 = arith.constant 0 : i32
        %dma_wait3A_459 = arith.constant 0 : i32
        %dma_wait3A_460 = tpu.memref_slice %arg10[%dma_wait3A_446, %dma_wait3A_458, %dma_wait3A_459] : memref<4x80x128xf32, #tpu.memory_space<vmem>> -> memref<1x80x128xf32, #tpu.memory_space<vmem>>
        %dma_wait3A_461 = tpu.memref_squeeze %dma_wait3A_460 : memref<1x80x128xf32, #tpu.memory_space<vmem>> -> memref<80x128xf32, #tpu.memory_space<vmem>>
        tpu.wait_dma2 semaphore(%dma_wait3A_455 : memref<!tpu.dma_semaphore, #tpu.memory_space<semaphore_mem>>) src(%dma_wait3A_461 : memref<80x128xf32, #tpu.memory_space<vmem>>) dst(%dma_wait3A_457 : memref<80x128xf32, #tpu.memory_space<hbm>>)
        %add3A_462 = arith.constant 4 : i32
        %add3A_463 = arith.addi %add3A_405, %add3A_462 : i32
        %dma_start3A_464 = arith.constant 3 : i32
        %dma_start3A_465 = arith.constant 3 : i32
        %dma_start3A_466 = arith.constant 0 : i32
        %dma_start3A_467 = arith.constant 0 : i32
        %dma_start3A_468 = tpu.memref_slice %arg10[%dma_start3A_464, %dma_start3A_466, %dma_start3A_467] : memref<4x80x128xf32, #tpu.memory_space<vmem>> -> memref<1x80x128xf32, #tpu.memory_space<vmem>>
        %dma_start3A_469 = tpu.memref_squeeze %dma_start3A_468 : memref<1x80x128xf32, #tpu.memory_space<vmem>> -> memref<80x128xf32, #tpu.memory_space<vmem>>
        %dma_start3A_470 = arith.constant 0 : i32
        %dma_start3A_471 = tpu.memref_slice %arg8[%add3A_463, %dma_start3A_470] : memref<20x80xi32, #tpu.memory_space<vmem>> -> memref<1x80xi32, #tpu.memory_space<vmem>>
        %dma_start3A_472 = tpu.memref_squeeze %dma_start3A_471 : memref<1x80xi32, #tpu.memory_space<vmem>> -> memref<80xi32, #tpu.memory_space<vmem>>
        %dma_start3A_473 = arith.constant 0 : i32
        %dma_start3A_474 = arith.constant 0 : i32
        %dma_start3A_475 = tpu.memref_slice %arg4[%dma_start3A_473, %dma_start3A_474] : memref<10184x128xf32, #tpu.memory_space<hbm>> -> memref<10184x128xf32, #tpu.memory_space<hbm>>
        %dma_start3A_476 = tpu.memref_slice %arg11[%dma_start3A_465] : memref<4x!tpu.dma_semaphore, #tpu.memory_space<semaphore_mem>> -> memref<1x!tpu.dma_semaphore, #tpu.memory_space<semaphore_mem>>
        %dma_start3A_477 = tpu.memref_squeeze %dma_start3A_476 : memref<1x!tpu.dma_semaphore, #tpu.memory_space<semaphore_mem>> -> memref<!tpu.dma_semaphore, #tpu.memory_space<semaphore_mem>>
        tpu.enqueue_indirect_dma source(%dma_start3A_475 : memref<10184x128xf32, #tpu.memory_space<hbm>>) target(%dma_start3A_469 : memref<80x128xf32, #tpu.memory_space<vmem>>) offsets(%dma_start3A_472 : memref<80xi32, #tpu.memory_space<vmem>>) semaphore(%dma_start3A_477 : memref<!tpu.dma_semaphore, #tpu.memory_space<semaphore_mem>>)
      } else {
      }
    }
    %scan3A_65 = arith.constant 5 : i32
    %add3A_66 = arith.constant 1280 : i32
    %add3A_67 = arith.addi %mul3A_2, %add3A_66 : i32
    %dma_wait3A = arith.constant 0 : i32
    %dma_wait3A_68 = arith.constant 0 : i32
    %dma_wait3A_69 = arith.constant 0 : i32
    %dma_wait3A_70 = arith.constant 0 : i32
    %dma_wait3A_71 = tpu.memref_slice %arg10[%dma_wait3A, %dma_wait3A_69, %dma_wait3A_70] : memref<4x80x128xf32, #tpu.memory_space<vmem>> -> memref<1x80x128xf32, #tpu.memory_space<vmem>>
    %dma_wait3A_72 = tpu.memref_squeeze %dma_wait3A_71 : memref<1x80x128xf32, #tpu.memory_space<vmem>> -> memref<80x128xf32, #tpu.memory_space<vmem>>
    %dma_wait3A_73 = arith.constant 0 : i32
    %dma_wait3A_74 = tpu.memref_slice %arg6[%add3A_67, %dma_wait3A_73] : memref<51200x128xf32, #tpu.memory_space<hbm>> -> memref<80x128xf32, #tpu.memory_space<hbm>>
    %dma_wait3A_75 = tpu.memref_slice %arg12[%dma_wait3A_68] : memref<4x!tpu.dma_semaphore, #tpu.memory_space<semaphore_mem>> -> memref<1x!tpu.dma_semaphore, #tpu.memory_space<semaphore_mem>>
    %dma_wait3A_76 = tpu.memref_squeeze %dma_wait3A_75 : memref<1x!tpu.dma_semaphore, #tpu.memory_space<semaphore_mem>> -> memref<!tpu.dma_semaphore, #tpu.memory_space<semaphore_mem>>
    %dma_wait3A_77 = arith.constant 0 : i32
    %dma_wait3A_78 = tpu.memref_slice %arg6[%add3A_67, %dma_wait3A_77] : memref<51200x128xf32, #tpu.memory_space<hbm>> -> memref<80x128xf32, #tpu.memory_space<hbm>>
    %dma_wait3A_79 = arith.constant 0 : i32
    %dma_wait3A_80 = arith.constant 0 : i32
    %dma_wait3A_81 = tpu.memref_slice %arg10[%dma_wait3A, %dma_wait3A_79, %dma_wait3A_80] : memref<4x80x128xf32, #tpu.memory_space<vmem>> -> memref<1x80x128xf32, #tpu.memory_space<vmem>>
    %dma_wait3A_82 = tpu.memref_squeeze %dma_wait3A_81 : memref<1x80x128xf32, #tpu.memory_space<vmem>> -> memref<80x128xf32, #tpu.memory_space<vmem>>
    tpu.wait_dma2 semaphore(%dma_wait3A_76 : memref<!tpu.dma_semaphore, #tpu.memory_space<semaphore_mem>>) src(%dma_wait3A_82 : memref<80x128xf32, #tpu.memory_space<vmem>>) dst(%dma_wait3A_78 : memref<80x128xf32, #tpu.memory_space<hbm>>)
    %add3A_83 = arith.constant 1360 : i32
    %add3A_84 = arith.addi %mul3A_2, %add3A_83 : i32
    %dma_wait3A_85 = arith.constant 1 : i32
    %dma_wait3A_86 = arith.constant 1 : i32
    %dma_wait3A_87 = arith.constant 0 : i32
    %dma_wait3A_88 = arith.constant 0 : i32
    %dma_wait3A_89 = tpu.memref_slice %arg10[%dma_wait3A_85, %dma_wait3A_87, %dma_wait3A_88] : memref<4x80x128xf32, #tpu.memory_space<vmem>> -> memref<1x80x128xf32, #tpu.memory_space<vmem>>
    %dma_wait3A_90 = tpu.memref_squeeze %dma_wait3A_89 : memref<1x80x128xf32, #tpu.memory_space<vmem>> -> memref<80x128xf32, #tpu.memory_space<vmem>>
    %dma_wait3A_91 = arith.constant 0 : i32
    %dma_wait3A_92 = tpu.memref_slice %arg6[%add3A_84, %dma_wait3A_91] : memref<51200x128xf32, #tpu.memory_space<hbm>> -> memref<80x128xf32, #tpu.memory_space<hbm>>
    %dma_wait3A_93 = tpu.memref_slice %arg12[%dma_wait3A_86] : memref<4x!tpu.dma_semaphore, #tpu.memory_space<semaphore_mem>> -> memref<1x!tpu.dma_semaphore, #tpu.memory_space<semaphore_mem>>
    %dma_wait3A_94 = tpu.memref_squeeze %dma_wait3A_93 : memref<1x!tpu.dma_semaphore, #tpu.memory_space<semaphore_mem>> -> memref<!tpu.dma_semaphore, #tpu.memory_space<semaphore_mem>>
    %dma_wait3A_95 = arith.constant 0 : i32
    %dma_wait3A_96 = tpu.memref_slice %arg6[%add3A_84, %dma_wait3A_95] : memref<51200x128xf32, #tpu.memory_space<hbm>> -> memref<80x128xf32, #tpu.memory_space<hbm>>
    %dma_wait3A_97 = arith.constant 0 : i32
    %dma_wait3A_98 = arith.constant 0 : i32
    %dma_wait3A_99 = tpu.memref_slice %arg10[%dma_wait3A_85, %dma_wait3A_97, %dma_wait3A_98] : memref<4x80x128xf32, #tpu.memory_space<vmem>> -> memref<1x80x128xf32, #tpu.memory_space<vmem>>
    %dma_wait3A_100 = tpu.memref_squeeze %dma_wait3A_99 : memref<1x80x128xf32, #tpu.memory_space<vmem>> -> memref<80x128xf32, #tpu.memory_space<vmem>>
    tpu.wait_dma2 semaphore(%dma_wait3A_94 : memref<!tpu.dma_semaphore, #tpu.memory_space<semaphore_mem>>) src(%dma_wait3A_100 : memref<80x128xf32, #tpu.memory_space<vmem>>) dst(%dma_wait3A_96 : memref<80x128xf32, #tpu.memory_space<hbm>>)
    %add3A_101 = arith.constant 1440 : i32
    %add3A_102 = arith.addi %mul3A_2, %add3A_101 : i32
    %dma_wait3A_103 = arith.constant 2 : i32
    %dma_wait3A_104 = arith.constant 2 : i32
    %dma_wait3A_105 = arith.constant 0 : i32
    %dma_wait3A_106 = arith.constant 0 : i32
    %dma_wait3A_107 = tpu.memref_slice %arg10[%dma_wait3A_103, %dma_wait3A_105, %dma_wait3A_106] : memref<4x80x128xf32, #tpu.memory_space<vmem>> -> memref<1x80x128xf32, #tpu.memory_space<vmem>>
    %dma_wait3A_108 = tpu.memref_squeeze %dma_wait3A_107 : memref<1x80x128xf32, #tpu.memory_space<vmem>> -> memref<80x128xf32, #tpu.memory_space<vmem>>
    %dma_wait3A_109 = arith.constant 0 : i32
    %dma_wait3A_110 = tpu.memref_slice %arg6[%add3A_102, %dma_wait3A_109] : memref<51200x128xf32, #tpu.memory_space<hbm>> -> memref<80x128xf32, #tpu.memory_space<hbm>>
    %dma_wait3A_111 = tpu.memref_slice %arg12[%dma_wait3A_104] : memref<4x!tpu.dma_semaphore, #tpu.memory_space<semaphore_mem>> -> memref<1x!tpu.dma_semaphore, #tpu.memory_space<semaphore_mem>>
    %dma_wait3A_112 = tpu.memref_squeeze %dma_wait3A_111 : memref<1x!tpu.dma_semaphore, #tpu.memory_space<semaphore_mem>> -> memref<!tpu.dma_semaphore, #tpu.memory_space<semaphore_mem>>
    %dma_wait3A_113 = arith.constant 0 : i32
    %dma_wait3A_114 = tpu.memref_slice %arg6[%add3A_102, %dma_wait3A_113] : memref<51200x128xf32, #tpu.memory_space<hbm>> -> memref<80x128xf32, #tpu.memory_space<hbm>>
    %dma_wait3A_115 = arith.constant 0 : i32
    %dma_wait3A_116 = arith.constant 0 : i32
    %dma_wait3A_117 = tpu.memref_slice %arg10[%dma_wait3A_103, %dma_wait3A_115, %dma_wait3A_116] : memref<4x80x128xf32, #tpu.memory_space<vmem>> -> memref<1x80x128xf32, #tpu.memory_space<vmem>>
    %dma_wait3A_118 = tpu.memref_squeeze %dma_wait3A_117 : memref<1x80x128xf32, #tpu.memory_space<vmem>> -> memref<80x128xf32, #tpu.memory_space<vmem>>
    tpu.wait_dma2 semaphore(%dma_wait3A_112 : memref<!tpu.dma_semaphore, #tpu.memory_space<semaphore_mem>>) src(%dma_wait3A_118 : memref<80x128xf32, #tpu.memory_space<vmem>>) dst(%dma_wait3A_114 : memref<80x128xf32, #tpu.memory_space<hbm>>)
    %add3A_119 = arith.constant 1520 : i32
    %add3A_120 = arith.addi %mul3A_2, %add3A_119 : i32
    %dma_wait3A_121 = arith.constant 3 : i32
    %dma_wait3A_122 = arith.constant 3 : i32
    %dma_wait3A_123 = arith.constant 0 : i32
    %dma_wait3A_124 = arith.constant 0 : i32
    %dma_wait3A_125 = tpu.memref_slice %arg10[%dma_wait3A_121, %dma_wait3A_123, %dma_wait3A_124] : memref<4x80x128xf32, #tpu.memory_space<vmem>> -> memref<1x80x128xf32, #tpu.memory_space<vmem>>
    %dma_wait3A_126 = tpu.memref_squeeze %dma_wait3A_125 : memref<1x80x128xf32, #tpu.memory_space<vmem>> -> memref<80x128xf32, #tpu.memory_space<vmem>>
    %dma_wait3A_127 = arith.constant 0 : i32
    %dma_wait3A_128 = tpu.memref_slice %arg6[%add3A_120, %dma_wait3A_127] : memref<51200x128xf32, #tpu.memory_space<hbm>> -> memref<80x128xf32, #tpu.memory_space<hbm>>
    %dma_wait3A_129 = tpu.memref_slice %arg12[%dma_wait3A_122] : memref<4x!tpu.dma_semaphore, #tpu.memory_space<semaphore_mem>> -> memref<1x!tpu.dma_semaphore, #tpu.memory_space<semaphore_mem>>
    %dma_wait3A_130 = tpu.memref_squeeze %dma_wait3A_129 : memref<1x!tpu.dma_semaphore, #tpu.memory_space<semaphore_mem>> -> memref<!tpu.dma_semaphore, #tpu.memory_space<semaphore_mem>>
    %dma_wait3A_131 = arith.constant 0 : i32
    %dma_wait3A_132 = tpu.memref_slice %arg6[%add3A_120, %dma_wait3A_131] : memref<51200x128xf32, #tpu.memory_space<hbm>> -> memref<80x128xf32, #tpu.memory_space<hbm>>
    %dma_wait3A_133 = arith.constant 0 : i32
    %dma_wait3A_134 = arith.constant 0 : i32
    %dma_wait3A_135 = tpu.memref_slice %arg10[%dma_wait3A_121, %dma_wait3A_133, %dma_wait3A_134] : memref<4x80x128xf32, #tpu.memory_space<vmem>> -> memref<1x80x128xf32, #tpu.memory_space<vmem>>
    %dma_wait3A_136 = tpu.memref_squeeze %dma_wait3A_135 : memref<1x80x128xf32, #tpu.memory_space<vmem>> -> memref<80x128xf32, #tpu.memory_space<vmem>>
    tpu.wait_dma2 semaphore(%dma_wait3A_130 : memref<!tpu.dma_semaphore, #tpu.memory_space<semaphore_mem>>) src(%dma_wait3A_136 : memref<80x128xf32, #tpu.memory_space<vmem>>) dst(%dma_wait3A_132 : memref<80x128xf32, #tpu.memory_space<hbm>>)
    %mul3A_137 = arith.constant 6400 : i32
    %mul3A_138 = arith.muli %add3A, %mul3A_137 : i32
    %dma_start3A_139 = arith.constant 0 : i32
    %dma_start3A_140 = arith.constant 0 : i32
    %dma_start3A_141 = arith.constant 0 : i32
    %dma_start3A_142 = arith.constant 0 : i32
    %dma_start3A_143 = arith.constant 0 : i32
    %dma_start3A_144 = tpu.memref_slice %arg10[%dma_start3A_140, %dma_start3A_142, %dma_start3A_143] : memref<4x80x128xf32, #tpu.memory_space<vmem>> -> memref<1x80x128xf32, #tpu.memory_space<vmem>>
    %dma_start3A_145 = tpu.memref_squeeze %dma_start3A_144 : memref<1x80x128xf32, #tpu.memory_space<vmem>> -> memref<80x128xf32, #tpu.memory_space<vmem>>
    %dma_start3A_146 = arith.constant 0 : i32
    %dma_start3A_147 = tpu.memref_slice %arg9[%dma_start3A_139, %dma_start3A_146] : memref<80x80xi32, #tpu.memory_space<vmem>> -> memref<1x80xi32, #tpu.memory_space<vmem>>
    %dma_start3A_148 = tpu.memref_squeeze %dma_start3A_147 : memref<1x80xi32, #tpu.memory_space<vmem>> -> memref<80xi32, #tpu.memory_space<vmem>>
    %dma_start3A_149 = arith.constant 0 : i32
    %dma_start3A_150 = arith.constant 0 : i32
    %dma_start3A_151 = tpu.memref_slice %arg5[%dma_start3A_149, %dma_start3A_150] : memref<10082x128xf32, #tpu.memory_space<hbm>> -> memref<10082x128xf32, #tpu.memory_space<hbm>>
    %dma_start3A_152 = tpu.memref_slice %arg11[%dma_start3A_141] : memref<4x!tpu.dma_semaphore, #tpu.memory_space<semaphore_mem>> -> memref<1x!tpu.dma_semaphore, #tpu.memory_space<semaphore_mem>>
    %dma_start3A_153 = tpu.memref_squeeze %dma_start3A_152 : memref<1x!tpu.dma_semaphore, #tpu.memory_space<semaphore_mem>> -> memref<!tpu.dma_semaphore, #tpu.memory_space<semaphore_mem>>
    tpu.enqueue_indirect_dma source(%dma_start3A_151 : memref<10082x128xf32, #tpu.memory_space<hbm>>) target(%dma_start3A_145 : memref<80x128xf32, #tpu.memory_space<vmem>>) offsets(%dma_start3A_148 : memref<80xi32, #tpu.memory_space<vmem>>) semaphore(%dma_start3A_153 : memref<!tpu.dma_semaphore, #tpu.memory_space<semaphore_mem>>)
    %dma_start3A_154 = arith.constant 1 : i32
    %dma_start3A_155 = arith.constant 1 : i32
    %dma_start3A_156 = arith.constant 1 : i32
    %dma_start3A_157 = arith.constant 0 : i32
    %dma_start3A_158 = arith.constant 0 : i32
    %dma_start3A_159 = tpu.memref_slice %arg10[%dma_start3A_155, %dma_start3A_157, %dma_start3A_158] : memref<4x80x128xf32, #tpu.memory_space<vmem>> -> memref<1x80x128xf32, #tpu.memory_space<vmem>>
    %dma_start3A_160 = tpu.memref_squeeze %dma_start3A_159 : memref<1x80x128xf32, #tpu.memory_space<vmem>> -> memref<80x128xf32, #tpu.memory_space<vmem>>
    %dma_start3A_161 = arith.constant 0 : i32
    %dma_start3A_162 = tpu.memref_slice %arg9[%dma_start3A_154, %dma_start3A_161] : memref<80x80xi32, #tpu.memory_space<vmem>> -> memref<1x80xi32, #tpu.memory_space<vmem>>
    %dma_start3A_163 = tpu.memref_squeeze %dma_start3A_162 : memref<1x80xi32, #tpu.memory_space<vmem>> -> memref<80xi32, #tpu.memory_space<vmem>>
    %dma_start3A_164 = arith.constant 0 : i32
    %dma_start3A_165 = arith.constant 0 : i32
    %dma_start3A_166 = tpu.memref_slice %arg5[%dma_start3A_164, %dma_start3A_165] : memref<10082x128xf32, #tpu.memory_space<hbm>> -> memref<10082x128xf32, #tpu.memory_space<hbm>>
    %dma_start3A_167 = tpu.memref_slice %arg11[%dma_start3A_156] : memref<4x!tpu.dma_semaphore, #tpu.memory_space<semaphore_mem>> -> memref<1x!tpu.dma_semaphore, #tpu.memory_space<semaphore_mem>>
    %dma_start3A_168 = tpu.memref_squeeze %dma_start3A_167 : memref<1x!tpu.dma_semaphore, #tpu.memory_space<semaphore_mem>> -> memref<!tpu.dma_semaphore, #tpu.memory_space<semaphore_mem>>
    tpu.enqueue_indirect_dma source(%dma_start3A_166 : memref<10082x128xf32, #tpu.memory_space<hbm>>) target(%dma_start3A_160 : memref<80x128xf32, #tpu.memory_space<vmem>>) offsets(%dma_start3A_163 : memref<80xi32, #tpu.memory_space<vmem>>) semaphore(%dma_start3A_168 : memref<!tpu.dma_semaphore, #tpu.memory_space<semaphore_mem>>)
    %dma_start3A_169 = arith.constant 2 : i32
    %dma_start3A_170 = arith.constant 2 : i32
    %dma_start3A_171 = arith.constant 2 : i32
    %dma_start3A_172 = arith.constant 0 : i32
    %dma_start3A_173 = arith.constant 0 : i32
    %dma_start3A_174 = tpu.memref_slice %arg10[%dma_start3A_170, %dma_start3A_172, %dma_start3A_173] : memref<4x80x128xf32, #tpu.memory_space<vmem>> -> memref<1x80x128xf32, #tpu.memory_space<vmem>>
    %dma_start3A_175 = tpu.memref_squeeze %dma_start3A_174 : memref<1x80x128xf32, #tpu.memory_space<vmem>> -> memref<80x128xf32, #tpu.memory_space<vmem>>
    %dma_start3A_176 = arith.constant 0 : i32
    %dma_start3A_177 = tpu.memref_slice %arg9[%dma_start3A_169, %dma_start3A_176] : memref<80x80xi32, #tpu.memory_space<vmem>> -> memref<1x80xi32, #tpu.memory_space<vmem>>
    %dma_start3A_178 = tpu.memref_squeeze %dma_start3A_177 : memref<1x80xi32, #tpu.memory_space<vmem>> -> memref<80xi32, #tpu.memory_space<vmem>>
    %dma_start3A_179 = arith.constant 0 : i32
    %dma_start3A_180 = arith.constant 0 : i32
    %dma_start3A_181 = tpu.memref_slice %arg5[%dma_start3A_179, %dma_start3A_180] : memref<10082x128xf32, #tpu.memory_space<hbm>> -> memref<10082x128xf32, #tpu.memory_space<hbm>>
    %dma_start3A_182 = tpu.memref_slice %arg11[%dma_start3A_171] : memref<4x!tpu.dma_semaphore, #tpu.memory_space<semaphore_mem>> -> memref<1x!tpu.dma_semaphore, #tpu.memory_space<semaphore_mem>>
    %dma_start3A_183 = tpu.memref_squeeze %dma_start3A_182 : memref<1x!tpu.dma_semaphore, #tpu.memory_space<semaphore_mem>> -> memref<!tpu.dma_semaphore, #tpu.memory_space<semaphore_mem>>
    tpu.enqueue_indirect_dma source(%dma_start3A_181 : memref<10082x128xf32, #tpu.memory_space<hbm>>) target(%dma_start3A_175 : memref<80x128xf32, #tpu.memory_space<vmem>>) offsets(%dma_start3A_178 : memref<80xi32, #tpu.memory_space<vmem>>) semaphore(%dma_start3A_183 : memref<!tpu.dma_semaphore, #tpu.memory_space<semaphore_mem>>)
    %dma_start3A_184 = arith.constant 3 : i32
    %dma_start3A_185 = arith.constant 3 : i32
    %dma_start3A_186 = arith.constant 3 : i32
    %dma_start3A_187 = arith.constant 0 : i32
    %dma_start3A_188 = arith.constant 0 : i32
    %dma_start3A_189 = tpu.memref_slice %arg10[%dma_start3A_185, %dma_start3A_187, %dma_start3A_188] : memref<4x80x128xf32, #tpu.memory_space<vmem>> -> memref<1x80x128xf32, #tpu.memory_space<vmem>>
    %dma_start3A_190 = tpu.memref_squeeze %dma_start3A_189 : memref<1x80x128xf32, #tpu.memory_space<vmem>> -> memref<80x128xf32, #tpu.memory_space<vmem>>
    %dma_start3A_191 = arith.constant 0 : i32
    %dma_start3A_192 = tpu.memref_slice %arg9[%dma_start3A_184, %dma_start3A_191] : memref<80x80xi32, #tpu.memory_space<vmem>> -> memref<1x80xi32, #tpu.memory_space<vmem>>
    %dma_start3A_193 = tpu.memref_squeeze %dma_start3A_192 : memref<1x80xi32, #tpu.memory_space<vmem>> -> memref<80xi32, #tpu.memory_space<vmem>>
    %dma_start3A_194 = arith.constant 0 : i32
    %dma_start3A_195 = arith.constant 0 : i32
    %dma_start3A_196 = tpu.memref_slice %arg5[%dma_start3A_194, %dma_start3A_195] : memref<10082x128xf32, #tpu.memory_space<hbm>> -> memref<10082x128xf32, #tpu.memory_space<hbm>>
    %dma_start3A_197 = tpu.memref_slice %arg11[%dma_start3A_186] : memref<4x!tpu.dma_semaphore, #tpu.memory_space<semaphore_mem>> -> memref<1x!tpu.dma_semaphore, #tpu.memory_space<semaphore_mem>>
    %dma_start3A_198 = tpu.memref_squeeze %dma_start3A_197 : memref<1x!tpu.dma_semaphore, #tpu.memory_space<semaphore_mem>> -> memref<!tpu.dma_semaphore, #tpu.memory_space<semaphore_mem>>
    tpu.enqueue_indirect_dma source(%dma_start3A_196 : memref<10082x128xf32, #tpu.memory_space<hbm>>) target(%dma_start3A_190 : memref<80x128xf32, #tpu.memory_space<vmem>>) offsets(%dma_start3A_193 : memref<80xi32, #tpu.memory_space<vmem>>) semaphore(%dma_start3A_198 : memref<!tpu.dma_semaphore, #tpu.memory_space<semaphore_mem>>)
    %scan3A_199 = arith.constant 0 : i32
    %scan3A_200 = arith.constant 20 : i32
    %scan3A_201 = arith.addi %scan3A_199, %scan3A_200 : i32
    %scan3A_202 = arith.constant 1 : i32
    scf.for %scan3A_276 = %scan3A_199 to %scan3A_201 step %scan3A_202  : i32 {
      %mul3A_277 = arith.constant 4 : i32
      %mul3A_278 = arith.muli %scan3A_276, %mul3A_277 : i32
      %add3A_279 = arith.constant 0 : i32
      %add3A_280 = arith.addi %add3A_279, %mul3A_278 : i32
      %add3A_281 = arith.constant 0 : i32
      %add3A_282 = arith.addi %add3A_280, %add3A_281 : i32
      %dma_wait3A_283 = arith.constant 0 : i32
      %dma_wait3A_284 = arith.constant 0 : i32
      %dma_wait3A_285 = arith.constant 0 : i32
      %dma_wait3A_286 = arith.constant 0 : i32
      %dma_wait3A_287 = tpu.memref_slice %arg10[%dma_wait3A_283, %dma_wait3A_285, %dma_wait3A_286] : memref<4x80x128xf32, #tpu.memory_space<vmem>> -> memref<1x80x128xf32, #tpu.memory_space<vmem>>
      %dma_wait3A_288 = tpu.memref_squeeze %dma_wait3A_287 : memref<1x80x128xf32, #tpu.memory_space<vmem>> -> memref<80x128xf32, #tpu.memory_space<vmem>>
      %dma_wait3A_289 = arith.constant 0 : i32
      %dma_wait3A_290 = tpu.memref_slice %arg9[%add3A_282, %dma_wait3A_289] : memref<80x80xi32, #tpu.memory_space<vmem>> -> memref<1x80xi32, #tpu.memory_space<vmem>>
      %dma_wait3A_291 = tpu.memref_squeeze %dma_wait3A_290 : memref<1x80xi32, #tpu.memory_space<vmem>> -> memref<80xi32, #tpu.memory_space<vmem>>
      %dma_wait3A_292 = arith.constant 0 : i32
      %dma_wait3A_293 = arith.constant 0 : i32
      %dma_wait3A_294 = tpu.memref_slice %arg5[%dma_wait3A_292, %dma_wait3A_293] : memref<10082x128xf32, #tpu.memory_space<hbm>> -> memref<10082x128xf32, #tpu.memory_space<hbm>>
      %dma_wait3A_295 = tpu.memref_slice %arg11[%dma_wait3A_284] : memref<4x!tpu.dma_semaphore, #tpu.memory_space<semaphore_mem>> -> memref<1x!tpu.dma_semaphore, #tpu.memory_space<semaphore_mem>>
      %dma_wait3A_296 = tpu.memref_squeeze %dma_wait3A_295 : memref<1x!tpu.dma_semaphore, #tpu.memory_space<semaphore_mem>> -> memref<!tpu.dma_semaphore, #tpu.memory_space<semaphore_mem>>
      tpu.wait_indirect_dma semaphore(%dma_wait3A_296 : memref<!tpu.dma_semaphore, #tpu.memory_space<semaphore_mem>>) src(%dma_wait3A_294 : memref<10082x128xf32, #tpu.memory_space<hbm>>) dst(%dma_wait3A_288 : memref<80x128xf32, #tpu.memory_space<vmem>>)
      %mul3A_297 = arith.constant 80 : i32
      %mul3A_298 = arith.muli %add3A_282, %mul3A_297 : i32
      %add3A_299 = arith.addi %mul3A_138, %mul3A_298 : i32
      %dma_start3A_300 = arith.constant 0 : i32
      %dma_start3A_301 = arith.constant 0 : i32
      %dma_start3A_302 = arith.constant 0 : i32
      %dma_start3A_303 = arith.constant 0 : i32
      %dma_start3A_304 = tpu.memref_slice %arg10[%dma_start3A_300, %dma_start3A_302, %dma_start3A_303] : memref<4x80x128xf32, #tpu.memory_space<vmem>> -> memref<1x80x128xf32, #tpu.memory_space<vmem>>
      %dma_start3A_305 = tpu.memref_squeeze %dma_start3A_304 : memref<1x80x128xf32, #tpu.memory_space<vmem>> -> memref<80x128xf32, #tpu.memory_space<vmem>>
      %dma_start3A_306 = arith.constant 0 : i32
      %dma_start3A_307 = tpu.memref_slice %arg7[%add3A_299, %dma_start3A_306] : memref<204800x128xf32, #tpu.memory_space<hbm>> -> memref<80x128xf32, #tpu.memory_space<hbm>>
      %dma_start3A_308 = tpu.memref_slice %arg12[%dma_start3A_301] : memref<4x!tpu.dma_semaphore, #tpu.memory_space<semaphore_mem>> -> memref<1x!tpu.dma_semaphore, #tpu.memory_space<semaphore_mem>>
      %dma_start3A_309 = tpu.memref_squeeze %dma_start3A_308 : memref<1x!tpu.dma_semaphore, #tpu.memory_space<semaphore_mem>> -> memref<!tpu.dma_semaphore, #tpu.memory_space<semaphore_mem>>
      %dma_start3A_310 = arith.constant 0 : i32
      %dma_start3A_311 = tpu.memref_slice %arg7[%add3A_299, %dma_start3A_310] : memref<204800x128xf32, #tpu.memory_space<hbm>> -> memref<80x128xf32, #tpu.memory_space<hbm>>
      %dma_start3A_312 = arith.constant 0 : i32
      %dma_start3A_313 = arith.constant 0 : i32
      %dma_start3A_314 = tpu.memref_slice %arg10[%dma_start3A_300, %dma_start3A_312, %dma_start3A_313] : memref<4x80x128xf32, #tpu.memory_space<vmem>> -> memref<1x80x128xf32, #tpu.memory_space<vmem>>
      %dma_start3A_315 = tpu.memref_squeeze %dma_start3A_314 : memref<1x80x128xf32, #tpu.memory_space<vmem>> -> memref<80x128xf32, #tpu.memory_space<vmem>>
      tpu.enqueue_dma source(%dma_start3A_315 : memref<80x128xf32, #tpu.memory_space<vmem>>) target(%dma_start3A_311 : memref<80x128xf32, #tpu.memory_space<hbm>>) target_semaphore(%dma_start3A_309 : memref<!tpu.dma_semaphore, #tpu.memory_space<semaphore_mem>>)
      %add3A_316 = arith.constant 4 : i32
      %add3A_317 = arith.addi %add3A_282, %add3A_316 : i32
      %lt3A = arith.constant 80 : i32
      %lt3A_318 = arith.cmpi slt, %add3A_317, %lt3A : i32
      %convert_element_type3A = arith.extui %lt3A_318 : i1 to i32
      %cond3A = arith.constant 0 : i32
      %cond3A_319 = arith.cmpi ne, %convert_element_type3A, %cond3A : i32
      scf.if %cond3A_319 {
        %dma_wait3A_446 = arith.constant 0 : i32
        %dma_wait3A_447 = arith.constant 0 : i32
        %dma_wait3A_448 = arith.constant 0 : i32
        %dma_wait3A_449 = arith.constant 0 : i32
        %dma_wait3A_450 = tpu.memref_slice %arg10[%dma_wait3A_446, %dma_wait3A_448, %dma_wait3A_449] : memref<4x80x128xf32, #tpu.memory_space<vmem>> -> memref<1x80x128xf32, #tpu.memory_space<vmem>>
        %dma_wait3A_451 = tpu.memref_squeeze %dma_wait3A_450 : memref<1x80x128xf32, #tpu.memory_space<vmem>> -> memref<80x128xf32, #tpu.memory_space<vmem>>
        %dma_wait3A_452 = arith.constant 0 : i32
        %dma_wait3A_453 = tpu.memref_slice %arg7[%add3A_299, %dma_wait3A_452] : memref<204800x128xf32, #tpu.memory_space<hbm>> -> memref<80x128xf32, #tpu.memory_space<hbm>>
        %dma_wait3A_454 = tpu.memref_slice %arg12[%dma_wait3A_447] : memref<4x!tpu.dma_semaphore, #tpu.memory_space<semaphore_mem>> -> memref<1x!tpu.dma_semaphore, #tpu.memory_space<semaphore_mem>>
        %dma_wait3A_455 = tpu.memref_squeeze %dma_wait3A_454 : memref<1x!tpu.dma_semaphore, #tpu.memory_space<semaphore_mem>> -> memref<!tpu.dma_semaphore, #tpu.memory_space<semaphore_mem>>
        %dma_wait3A_456 = arith.constant 0 : i32
        %dma_wait3A_457 = tpu.memref_slice %arg7[%add3A_299, %dma_wait3A_456] : memref<204800x128xf32, #tpu.memory_space<hbm>> -> memref<80x128xf32, #tpu.memory_space<hbm>>
        %dma_wait3A_458 = arith.constant 0 : i32
        %dma_wait3A_459 = arith.constant 0 : i32
        %dma_wait3A_460 = tpu.memref_slice %arg10[%dma_wait3A_446, %dma_wait3A_458, %dma_wait3A_459] : memref<4x80x128xf32, #tpu.memory_space<vmem>> -> memref<1x80x128xf32, #tpu.memory_space<vmem>>
        %dma_wait3A_461 = tpu.memref_squeeze %dma_wait3A_460 : memref<1x80x128xf32, #tpu.memory_space<vmem>> -> memref<80x128xf32, #tpu.memory_space<vmem>>
        tpu.wait_dma2 semaphore(%dma_wait3A_455 : memref<!tpu.dma_semaphore, #tpu.memory_space<semaphore_mem>>) src(%dma_wait3A_461 : memref<80x128xf32, #tpu.memory_space<vmem>>) dst(%dma_wait3A_457 : memref<80x128xf32, #tpu.memory_space<hbm>>)
        %add3A_462 = arith.constant 4 : i32
        %add3A_463 = arith.addi %add3A_282, %add3A_462 : i32
        %dma_start3A_464 = arith.constant 0 : i32
        %dma_start3A_465 = arith.constant 0 : i32
        %dma_start3A_466 = arith.constant 0 : i32
        %dma_start3A_467 = arith.constant 0 : i32
        %dma_start3A_468 = tpu.memref_slice %arg10[%dma_start3A_464, %dma_start3A_466, %dma_start3A_467] : memref<4x80x128xf32, #tpu.memory_space<vmem>> -> memref<1x80x128xf32, #tpu.memory_space<vmem>>
        %dma_start3A_469 = tpu.memref_squeeze %dma_start3A_468 : memref<1x80x128xf32, #tpu.memory_space<vmem>> -> memref<80x128xf32, #tpu.memory_space<vmem>>
        %dma_start3A_470 = arith.constant 0 : i32
        %dma_start3A_471 = tpu.memref_slice %arg9[%add3A_463, %dma_start3A_470] : memref<80x80xi32, #tpu.memory_space<vmem>> -> memref<1x80xi32, #tpu.memory_space<vmem>>
        %dma_start3A_472 = tpu.memref_squeeze %dma_start3A_471 : memref<1x80xi32, #tpu.memory_space<vmem>> -> memref<80xi32, #tpu.memory_space<vmem>>
        %dma_start3A_473 = arith.constant 0 : i32
        %dma_start3A_474 = arith.constant 0 : i32
        %dma_start3A_475 = tpu.memref_slice %arg5[%dma_start3A_473, %dma_start3A_474] : memref<10082x128xf32, #tpu.memory_space<hbm>> -> memref<10082x128xf32, #tpu.memory_space<hbm>>
        %dma_start3A_476 = tpu.memref_slice %arg11[%dma_start3A_465] : memref<4x!tpu.dma_semaphore, #tpu.memory_space<semaphore_mem>> -> memref<1x!tpu.dma_semaphore, #tpu.memory_space<semaphore_mem>>
        %dma_start3A_477 = tpu.memref_squeeze %dma_start3A_476 : memref<1x!tpu.dma_semaphore, #tpu.memory_space<semaphore_mem>> -> memref<!tpu.dma_semaphore, #tpu.memory_space<semaphore_mem>>
        tpu.enqueue_indirect_dma source(%dma_start3A_475 : memref<10082x128xf32, #tpu.memory_space<hbm>>) target(%dma_start3A_469 : memref<80x128xf32, #tpu.memory_space<vmem>>) offsets(%dma_start3A_472 : memref<80xi32, #tpu.memory_space<vmem>>) semaphore(%dma_start3A_477 : memref<!tpu.dma_semaphore, #tpu.memory_space<semaphore_mem>>)
      } else {
      }
      %add3A_320 = arith.constant 1 : i32
      %add3A_321 = arith.addi %add3A_280, %add3A_320 : i32
      %dma_wait3A_322 = arith.constant 1 : i32
      %dma_wait3A_323 = arith.constant 1 : i32
      %dma_wait3A_324 = arith.constant 0 : i32
      %dma_wait3A_325 = arith.constant 0 : i32
      %dma_wait3A_326 = tpu.memref_slice %arg10[%dma_wait3A_322, %dma_wait3A_324, %dma_wait3A_325] : memref<4x80x128xf32, #tpu.memory_space<vmem>> -> memref<1x80x128xf32, #tpu.memory_space<vmem>>
      %dma_wait3A_327 = tpu.memref_squeeze %dma_wait3A_326 : memref<1x80x128xf32, #tpu.memory_space<vmem>> -> memref<80x128xf32, #tpu.memory_space<vmem>>
      %dma_wait3A_328 = arith.constant 0 : i32
      %dma_wait3A_329 = tpu.memref_slice %arg9[%add3A_321, %dma_wait3A_328] : memref<80x80xi32, #tpu.memory_space<vmem>> -> memref<1x80xi32, #tpu.memory_space<vmem>>
      %dma_wait3A_330 = tpu.memref_squeeze %dma_wait3A_329 : memref<1x80xi32, #tpu.memory_space<vmem>> -> memref<80xi32, #tpu.memory_space<vmem>>
      %dma_wait3A_331 = arith.constant 0 : i32
      %dma_wait3A_332 = arith.constant 0 : i32
      %dma_wait3A_333 = tpu.memref_slice %arg5[%dma_wait3A_331, %dma_wait3A_332] : memref<10082x128xf32, #tpu.memory_space<hbm>> -> memref<10082x128xf32, #tpu.memory_space<hbm>>
      %dma_wait3A_334 = tpu.memref_slice %arg11[%dma_wait3A_323] : memref<4x!tpu.dma_semaphore, #tpu.memory_space<semaphore_mem>> -> memref<1x!tpu.dma_semaphore, #tpu.memory_space<semaphore_mem>>
      %dma_wait3A_335 = tpu.memref_squeeze %dma_wait3A_334 : memref<1x!tpu.dma_semaphore, #tpu.memory_space<semaphore_mem>> -> memref<!tpu.dma_semaphore, #tpu.memory_space<semaphore_mem>>
      tpu.wait_indirect_dma semaphore(%dma_wait3A_335 : memref<!tpu.dma_semaphore, #tpu.memory_space<semaphore_mem>>) src(%dma_wait3A_333 : memref<10082x128xf32, #tpu.memory_space<hbm>>) dst(%dma_wait3A_327 : memref<80x128xf32, #tpu.memory_space<vmem>>)
      %mul3A_336 = arith.constant 80 : i32
      %mul3A_337 = arith.muli %add3A_321, %mul3A_336 : i32
      %add3A_338 = arith.addi %mul3A_138, %mul3A_337 : i32
      %dma_start3A_339 = arith.constant 1 : i32
      %dma_start3A_340 = arith.constant 1 : i32
      %dma_start3A_341 = arith.constant 0 : i32
      %dma_start3A_342 = arith.constant 0 : i32
      %dma_start3A_343 = tpu.memref_slice %arg10[%dma_start3A_339, %dma_start3A_341, %dma_start3A_342] : memref<4x80x128xf32, #tpu.memory_space<vmem>> -> memref<1x80x128xf32, #tpu.memory_space<vmem>>
      %dma_start3A_344 = tpu.memref_squeeze %dma_start3A_343 : memref<1x80x128xf32, #tpu.memory_space<vmem>> -> memref<80x128xf32, #tpu.memory_space<vmem>>
      %dma_start3A_345 = arith.constant 0 : i32
      %dma_start3A_346 = tpu.memref_slice %arg7[%add3A_338, %dma_start3A_345] : memref<204800x128xf32, #tpu.memory_space<hbm>> -> memref<80x128xf32, #tpu.memory_space<hbm>>
      %dma_start3A_347 = tpu.memref_slice %arg12[%dma_start3A_340] : memref<4x!tpu.dma_semaphore, #tpu.memory_space<semaphore_mem>> -> memref<1x!tpu.dma_semaphore, #tpu.memory_space<semaphore_mem>>
      %dma_start3A_348 = tpu.memref_squeeze %dma_start3A_347 : memref<1x!tpu.dma_semaphore, #tpu.memory_space<semaphore_mem>> -> memref<!tpu.dma_semaphore, #tpu.memory_space<semaphore_mem>>
      %dma_start3A_349 = arith.constant 0 : i32
      %dma_start3A_350 = tpu.memref_slice %arg7[%add3A_338, %dma_start3A_349] : memref<204800x128xf32, #tpu.memory_space<hbm>> -> memref<80x128xf32, #tpu.memory_space<hbm>>
      %dma_start3A_351 = arith.constant 0 : i32
      %dma_start3A_352 = arith.constant 0 : i32
      %dma_start3A_353 = tpu.memref_slice %arg10[%dma_start3A_339, %dma_start3A_351, %dma_start3A_352] : memref<4x80x128xf32, #tpu.memory_space<vmem>> -> memref<1x80x128xf32, #tpu.memory_space<vmem>>
      %dma_start3A_354 = tpu.memref_squeeze %dma_start3A_353 : memref<1x80x128xf32, #tpu.memory_space<vmem>> -> memref<80x128xf32, #tpu.memory_space<vmem>>
      tpu.enqueue_dma source(%dma_start3A_354 : memref<80x128xf32, #tpu.memory_space<vmem>>) target(%dma_start3A_350 : memref<80x128xf32, #tpu.memory_space<hbm>>) target_semaphore(%dma_start3A_348 : memref<!tpu.dma_semaphore, #tpu.memory_space<semaphore_mem>>)
      %add3A_355 = arith.constant 4 : i32
      %add3A_356 = arith.addi %add3A_321, %add3A_355 : i32
      %lt3A_357 = arith.constant 80 : i32
      %lt3A_358 = arith.cmpi slt, %add3A_356, %lt3A_357 : i32
      %convert_element_type3A_359 = arith.extui %lt3A_358 : i1 to i32
      %cond3A_360 = arith.constant 0 : i32
      %cond3A_361 = arith.cmpi ne, %convert_element_type3A_359, %cond3A_360 : i32
      scf.if %cond3A_361 {
        %dma_wait3A_446 = arith.constant 1 : i32
        %dma_wait3A_447 = arith.constant 1 : i32
        %dma_wait3A_448 = arith.constant 0 : i32
        %dma_wait3A_449 = arith.constant 0 : i32
        %dma_wait3A_450 = tpu.memref_slice %arg10[%dma_wait3A_446, %dma_wait3A_448, %dma_wait3A_449] : memref<4x80x128xf32, #tpu.memory_space<vmem>> -> memref<1x80x128xf32, #tpu.memory_space<vmem>>
        %dma_wait3A_451 = tpu.memref_squeeze %dma_wait3A_450 : memref<1x80x128xf32, #tpu.memory_space<vmem>> -> memref<80x128xf32, #tpu.memory_space<vmem>>
        %dma_wait3A_452 = arith.constant 0 : i32
        %dma_wait3A_453 = tpu.memref_slice %arg7[%add3A_338, %dma_wait3A_452] : memref<204800x128xf32, #tpu.memory_space<hbm>> -> memref<80x128xf32, #tpu.memory_space<hbm>>
        %dma_wait3A_454 = tpu.memref_slice %arg12[%dma_wait3A_447] : memref<4x!tpu.dma_semaphore, #tpu.memory_space<semaphore_mem>> -> memref<1x!tpu.dma_semaphore, #tpu.memory_space<semaphore_mem>>
        %dma_wait3A_455 = tpu.memref_squeeze %dma_wait3A_454 : memref<1x!tpu.dma_semaphore, #tpu.memory_space<semaphore_mem>> -> memref<!tpu.dma_semaphore, #tpu.memory_space<semaphore_mem>>
        %dma_wait3A_456 = arith.constant 0 : i32
        %dma_wait3A_457 = tpu.memref_slice %arg7[%add3A_338, %dma_wait3A_456] : memref<204800x128xf32, #tpu.memory_space<hbm>> -> memref<80x128xf32, #tpu.memory_space<hbm>>
        %dma_wait3A_458 = arith.constant 0 : i32
        %dma_wait3A_459 = arith.constant 0 : i32
        %dma_wait3A_460 = tpu.memref_slice %arg10[%dma_wait3A_446, %dma_wait3A_458, %dma_wait3A_459] : memref<4x80x128xf32, #tpu.memory_space<vmem>> -> memref<1x80x128xf32, #tpu.memory_space<vmem>>
        %dma_wait3A_461 = tpu.memref_squeeze %dma_wait3A_460 : memref<1x80x128xf32, #tpu.memory_space<vmem>> -> memref<80x128xf32, #tpu.memory_space<vmem>>
        tpu.wait_dma2 semaphore(%dma_wait3A_455 : memref<!tpu.dma_semaphore, #tpu.memory_space<semaphore_mem>>) src(%dma_wait3A_461 : memref<80x128xf32, #tpu.memory_space<vmem>>) dst(%dma_wait3A_457 : memref<80x128xf32, #tpu.memory_space<hbm>>)
        %add3A_462 = arith.constant 4 : i32
        %add3A_463 = arith.addi %add3A_321, %add3A_462 : i32
        %dma_start3A_464 = arith.constant 1 : i32
        %dma_start3A_465 = arith.constant 1 : i32
        %dma_start3A_466 = arith.constant 0 : i32
        %dma_start3A_467 = arith.constant 0 : i32
        %dma_start3A_468 = tpu.memref_slice %arg10[%dma_start3A_464, %dma_start3A_466, %dma_start3A_467] : memref<4x80x128xf32, #tpu.memory_space<vmem>> -> memref<1x80x128xf32, #tpu.memory_space<vmem>>
        %dma_start3A_469 = tpu.memref_squeeze %dma_start3A_468 : memref<1x80x128xf32, #tpu.memory_space<vmem>> -> memref<80x128xf32, #tpu.memory_space<vmem>>
        %dma_start3A_470 = arith.constant 0 : i32
        %dma_start3A_471 = tpu.memref_slice %arg9[%add3A_463, %dma_start3A_470] : memref<80x80xi32, #tpu.memory_space<vmem>> -> memref<1x80xi32, #tpu.memory_space<vmem>>
        %dma_start3A_472 = tpu.memref_squeeze %dma_start3A_471 : memref<1x80xi32, #tpu.memory_space<vmem>> -> memref<80xi32, #tpu.memory_space<vmem>>
        %dma_start3A_473 = arith.constant 0 : i32
        %dma_start3A_474 = arith.constant 0 : i32
        %dma_start3A_475 = tpu.memref_slice %arg5[%dma_start3A_473, %dma_start3A_474] : memref<10082x128xf32, #tpu.memory_space<hbm>> -> memref<10082x128xf32, #tpu.memory_space<hbm>>
        %dma_start3A_476 = tpu.memref_slice %arg11[%dma_start3A_465] : memref<4x!tpu.dma_semaphore, #tpu.memory_space<semaphore_mem>> -> memref<1x!tpu.dma_semaphore, #tpu.memory_space<semaphore_mem>>
        %dma_start3A_477 = tpu.memref_squeeze %dma_start3A_476 : memref<1x!tpu.dma_semaphore, #tpu.memory_space<semaphore_mem>> -> memref<!tpu.dma_semaphore, #tpu.memory_space<semaphore_mem>>
        tpu.enqueue_indirect_dma source(%dma_start3A_475 : memref<10082x128xf32, #tpu.memory_space<hbm>>) target(%dma_start3A_469 : memref<80x128xf32, #tpu.memory_space<vmem>>) offsets(%dma_start3A_472 : memref<80xi32, #tpu.memory_space<vmem>>) semaphore(%dma_start3A_477 : memref<!tpu.dma_semaphore, #tpu.memory_space<semaphore_mem>>)
      } else {
      }
      %add3A_362 = arith.constant 2 : i32
      %add3A_363 = arith.addi %add3A_280, %add3A_362 : i32
      %dma_wait3A_364 = arith.constant 2 : i32
      %dma_wait3A_365 = arith.constant 2 : i32
      %dma_wait3A_366 = arith.constant 0 : i32
      %dma_wait3A_367 = arith.constant 0 : i32
      %dma_wait3A_368 = tpu.memref_slice %arg10[%dma_wait3A_364, %dma_wait3A_366, %dma_wait3A_367] : memref<4x80x128xf32, #tpu.memory_space<vmem>> -> memref<1x80x128xf32, #tpu.memory_space<vmem>>
      %dma_wait3A_369 = tpu.memref_squeeze %dma_wait3A_368 : memref<1x80x128xf32, #tpu.memory_space<vmem>> -> memref<80x128xf32, #tpu.memory_space<vmem>>
      %dma_wait3A_370 = arith.constant 0 : i32
      %dma_wait3A_371 = tpu.memref_slice %arg9[%add3A_363, %dma_wait3A_370] : memref<80x80xi32, #tpu.memory_space<vmem>> -> memref<1x80xi32, #tpu.memory_space<vmem>>
      %dma_wait3A_372 = tpu.memref_squeeze %dma_wait3A_371 : memref<1x80xi32, #tpu.memory_space<vmem>> -> memref<80xi32, #tpu.memory_space<vmem>>
      %dma_wait3A_373 = arith.constant 0 : i32
      %dma_wait3A_374 = arith.constant 0 : i32
      %dma_wait3A_375 = tpu.memref_slice %arg5[%dma_wait3A_373, %dma_wait3A_374] : memref<10082x128xf32, #tpu.memory_space<hbm>> -> memref<10082x128xf32, #tpu.memory_space<hbm>>
      %dma_wait3A_376 = tpu.memref_slice %arg11[%dma_wait3A_365] : memref<4x!tpu.dma_semaphore, #tpu.memory_space<semaphore_mem>> -> memref<1x!tpu.dma_semaphore, #tpu.memory_space<semaphore_mem>>
      %dma_wait3A_377 = tpu.memref_squeeze %dma_wait3A_376 : memref<1x!tpu.dma_semaphore, #tpu.memory_space<semaphore_mem>> -> memref<!tpu.dma_semaphore, #tpu.memory_space<semaphore_mem>>
      tpu.wait_indirect_dma semaphore(%dma_wait3A_377 : memref<!tpu.dma_semaphore, #tpu.memory_space<semaphore_mem>>) src(%dma_wait3A_375 : memref<10082x128xf32, #tpu.memory_space<hbm>>) dst(%dma_wait3A_369 : memref<80x128xf32, #tpu.memory_space<vmem>>)
      %mul3A_378 = arith.constant 80 : i32
      %mul3A_379 = arith.muli %add3A_363, %mul3A_378 : i32
      %add3A_380 = arith.addi %mul3A_138, %mul3A_379 : i32
      %dma_start3A_381 = arith.constant 2 : i32
      %dma_start3A_382 = arith.constant 2 : i32
      %dma_start3A_383 = arith.constant 0 : i32
      %dma_start3A_384 = arith.constant 0 : i32
      %dma_start3A_385 = tpu.memref_slice %arg10[%dma_start3A_381, %dma_start3A_383, %dma_start3A_384] : memref<4x80x128xf32, #tpu.memory_space<vmem>> -> memref<1x80x128xf32, #tpu.memory_space<vmem>>
      %dma_start3A_386 = tpu.memref_squeeze %dma_start3A_385 : memref<1x80x128xf32, #tpu.memory_space<vmem>> -> memref<80x128xf32, #tpu.memory_space<vmem>>
      %dma_start3A_387 = arith.constant 0 : i32
      %dma_start3A_388 = tpu.memref_slice %arg7[%add3A_380, %dma_start3A_387] : memref<204800x128xf32, #tpu.memory_space<hbm>> -> memref<80x128xf32, #tpu.memory_space<hbm>>
      %dma_start3A_389 = tpu.memref_slice %arg12[%dma_start3A_382] : memref<4x!tpu.dma_semaphore, #tpu.memory_space<semaphore_mem>> -> memref<1x!tpu.dma_semaphore, #tpu.memory_space<semaphore_mem>>
      %dma_start3A_390 = tpu.memref_squeeze %dma_start3A_389 : memref<1x!tpu.dma_semaphore, #tpu.memory_space<semaphore_mem>> -> memref<!tpu.dma_semaphore, #tpu.memory_space<semaphore_mem>>
      %dma_start3A_391 = arith.constant 0 : i32
      %dma_start3A_392 = tpu.memref_slice %arg7[%add3A_380, %dma_start3A_391] : memref<204800x128xf32, #tpu.memory_space<hbm>> -> memref<80x128xf32, #tpu.memory_space<hbm>>
      %dma_start3A_393 = arith.constant 0 : i32
      %dma_start3A_394 = arith.constant 0 : i32
      %dma_start3A_395 = tpu.memref_slice %arg10[%dma_start3A_381, %dma_start3A_393, %dma_start3A_394] : memref<4x80x128xf32, #tpu.memory_space<vmem>> -> memref<1x80x128xf32, #tpu.memory_space<vmem>>
      %dma_start3A_396 = tpu.memref_squeeze %dma_start3A_395 : memref<1x80x128xf32, #tpu.memory_space<vmem>> -> memref<80x128xf32, #tpu.memory_space<vmem>>
      tpu.enqueue_dma source(%dma_start3A_396 : memref<80x128xf32, #tpu.memory_space<vmem>>) target(%dma_start3A_392 : memref<80x128xf32, #tpu.memory_space<hbm>>) target_semaphore(%dma_start3A_390 : memref<!tpu.dma_semaphore, #tpu.memory_space<semaphore_mem>>)
      %add3A_397 = arith.constant 4 : i32
      %add3A_398 = arith.addi %add3A_363, %add3A_397 : i32
      %lt3A_399 = arith.constant 80 : i32
      %lt3A_400 = arith.cmpi slt, %add3A_398, %lt3A_399 : i32
      %convert_element_type3A_401 = arith.extui %lt3A_400 : i1 to i32
      %cond3A_402 = arith.constant 0 : i32
      %cond3A_403 = arith.cmpi ne, %convert_element_type3A_401, %cond3A_402 : i32
      scf.if %cond3A_403 {
        %dma_wait3A_446 = arith.constant 2 : i32
        %dma_wait3A_447 = arith.constant 2 : i32
        %dma_wait3A_448 = arith.constant 0 : i32
        %dma_wait3A_449 = arith.constant 0 : i32
        %dma_wait3A_450 = tpu.memref_slice %arg10[%dma_wait3A_446, %dma_wait3A_448, %dma_wait3A_449] : memref<4x80x128xf32, #tpu.memory_space<vmem>> -> memref<1x80x128xf32, #tpu.memory_space<vmem>>
        %dma_wait3A_451 = tpu.memref_squeeze %dma_wait3A_450 : memref<1x80x128xf32, #tpu.memory_space<vmem>> -> memref<80x128xf32, #tpu.memory_space<vmem>>
        %dma_wait3A_452 = arith.constant 0 : i32
        %dma_wait3A_453 = tpu.memref_slice %arg7[%add3A_380, %dma_wait3A_452] : memref<204800x128xf32, #tpu.memory_space<hbm>> -> memref<80x128xf32, #tpu.memory_space<hbm>>
        %dma_wait3A_454 = tpu.memref_slice %arg12[%dma_wait3A_447] : memref<4x!tpu.dma_semaphore, #tpu.memory_space<semaphore_mem>> -> memref<1x!tpu.dma_semaphore, #tpu.memory_space<semaphore_mem>>
        %dma_wait3A_455 = tpu.memref_squeeze %dma_wait3A_454 : memref<1x!tpu.dma_semaphore, #tpu.memory_space<semaphore_mem>> -> memref<!tpu.dma_semaphore, #tpu.memory_space<semaphore_mem>>
        %dma_wait3A_456 = arith.constant 0 : i32
        %dma_wait3A_457 = tpu.memref_slice %arg7[%add3A_380, %dma_wait3A_456] : memref<204800x128xf32, #tpu.memory_space<hbm>> -> memref<80x128xf32, #tpu.memory_space<hbm>>
        %dma_wait3A_458 = arith.constant 0 : i32
        %dma_wait3A_459 = arith.constant 0 : i32
        %dma_wait3A_460 = tpu.memref_slice %arg10[%dma_wait3A_446, %dma_wait3A_458, %dma_wait3A_459] : memref<4x80x128xf32, #tpu.memory_space<vmem>> -> memref<1x80x128xf32, #tpu.memory_space<vmem>>
        %dma_wait3A_461 = tpu.memref_squeeze %dma_wait3A_460 : memref<1x80x128xf32, #tpu.memory_space<vmem>> -> memref<80x128xf32, #tpu.memory_space<vmem>>
        tpu.wait_dma2 semaphore(%dma_wait3A_455 : memref<!tpu.dma_semaphore, #tpu.memory_space<semaphore_mem>>) src(%dma_wait3A_461 : memref<80x128xf32, #tpu.memory_space<vmem>>) dst(%dma_wait3A_457 : memref<80x128xf32, #tpu.memory_space<hbm>>)
        %add3A_462 = arith.constant 4 : i32
        %add3A_463 = arith.addi %add3A_363, %add3A_462 : i32
        %dma_start3A_464 = arith.constant 2 : i32
        %dma_start3A_465 = arith.constant 2 : i32
        %dma_start3A_466 = arith.constant 0 : i32
        %dma_start3A_467 = arith.constant 0 : i32
        %dma_start3A_468 = tpu.memref_slice %arg10[%dma_start3A_464, %dma_start3A_466, %dma_start3A_467] : memref<4x80x128xf32, #tpu.memory_space<vmem>> -> memref<1x80x128xf32, #tpu.memory_space<vmem>>
        %dma_start3A_469 = tpu.memref_squeeze %dma_start3A_468 : memref<1x80x128xf32, #tpu.memory_space<vmem>> -> memref<80x128xf32, #tpu.memory_space<vmem>>
        %dma_start3A_470 = arith.constant 0 : i32
        %dma_start3A_471 = tpu.memref_slice %arg9[%add3A_463, %dma_start3A_470] : memref<80x80xi32, #tpu.memory_space<vmem>> -> memref<1x80xi32, #tpu.memory_space<vmem>>
        %dma_start3A_472 = tpu.memref_squeeze %dma_start3A_471 : memref<1x80xi32, #tpu.memory_space<vmem>> -> memref<80xi32, #tpu.memory_space<vmem>>
        %dma_start3A_473 = arith.constant 0 : i32
        %dma_start3A_474 = arith.constant 0 : i32
        %dma_start3A_475 = tpu.memref_slice %arg5[%dma_start3A_473, %dma_start3A_474] : memref<10082x128xf32, #tpu.memory_space<hbm>> -> memref<10082x128xf32, #tpu.memory_space<hbm>>
        %dma_start3A_476 = tpu.memref_slice %arg11[%dma_start3A_465] : memref<4x!tpu.dma_semaphore, #tpu.memory_space<semaphore_mem>> -> memref<1x!tpu.dma_semaphore, #tpu.memory_space<semaphore_mem>>
        %dma_start3A_477 = tpu.memref_squeeze %dma_start3A_476 : memref<1x!tpu.dma_semaphore, #tpu.memory_space<semaphore_mem>> -> memref<!tpu.dma_semaphore, #tpu.memory_space<semaphore_mem>>
        tpu.enqueue_indirect_dma source(%dma_start3A_475 : memref<10082x128xf32, #tpu.memory_space<hbm>>) target(%dma_start3A_469 : memref<80x128xf32, #tpu.memory_space<vmem>>) offsets(%dma_start3A_472 : memref<80xi32, #tpu.memory_space<vmem>>) semaphore(%dma_start3A_477 : memref<!tpu.dma_semaphore, #tpu.memory_space<semaphore_mem>>)
      } else {
      }
      %add3A_404 = arith.constant 3 : i32
      %add3A_405 = arith.addi %add3A_280, %add3A_404 : i32
      %dma_wait3A_406 = arith.constant 3 : i32
      %dma_wait3A_407 = arith.constant 3 : i32
      %dma_wait3A_408 = arith.constant 0 : i32
      %dma_wait3A_409 = arith.constant 0 : i32
      %dma_wait3A_410 = tpu.memref_slice %arg10[%dma_wait3A_406, %dma_wait3A_408, %dma_wait3A_409] : memref<4x80x128xf32, #tpu.memory_space<vmem>> -> memref<1x80x128xf32, #tpu.memory_space<vmem>>
      %dma_wait3A_411 = tpu.memref_squeeze %dma_wait3A_410 : memref<1x80x128xf32, #tpu.memory_space<vmem>> -> memref<80x128xf32, #tpu.memory_space<vmem>>
      %dma_wait3A_412 = arith.constant 0 : i32
      %dma_wait3A_413 = tpu.memref_slice %arg9[%add3A_405, %dma_wait3A_412] : memref<80x80xi32, #tpu.memory_space<vmem>> -> memref<1x80xi32, #tpu.memory_space<vmem>>
      %dma_wait3A_414 = tpu.memref_squeeze %dma_wait3A_413 : memref<1x80xi32, #tpu.memory_space<vmem>> -> memref<80xi32, #tpu.memory_space<vmem>>
      %dma_wait3A_415 = arith.constant 0 : i32
      %dma_wait3A_416 = arith.constant 0 : i32
      %dma_wait3A_417 = tpu.memref_slice %arg5[%dma_wait3A_415, %dma_wait3A_416] : memref<10082x128xf32, #tpu.memory_space<hbm>> -> memref<10082x128xf32, #tpu.memory_space<hbm>>
      %dma_wait3A_418 = tpu.memref_slice %arg11[%dma_wait3A_407] : memref<4x!tpu.dma_semaphore, #tpu.memory_space<semaphore_mem>> -> memref<1x!tpu.dma_semaphore, #tpu.memory_space<semaphore_mem>>
      %dma_wait3A_419 = tpu.memref_squeeze %dma_wait3A_418 : memref<1x!tpu.dma_semaphore, #tpu.memory_space<semaphore_mem>> -> memref<!tpu.dma_semaphore, #tpu.memory_space<semaphore_mem>>
      tpu.wait_indirect_dma semaphore(%dma_wait3A_419 : memref<!tpu.dma_semaphore, #tpu.memory_space<semaphore_mem>>) src(%dma_wait3A_417 : memref<10082x128xf32, #tpu.memory_space<hbm>>) dst(%dma_wait3A_411 : memref<80x128xf32, #tpu.memory_space<vmem>>)
      %mul3A_420 = arith.constant 80 : i32
      %mul3A_421 = arith.muli %add3A_405, %mul3A_420 : i32
      %add3A_422 = arith.addi %mul3A_138, %mul3A_421 : i32
      %dma_start3A_423 = arith.constant 3 : i32
      %dma_start3A_424 = arith.constant 3 : i32
      %dma_start3A_425 = arith.constant 0 : i32
      %dma_start3A_426 = arith.constant 0 : i32
      %dma_start3A_427 = tpu.memref_slice %arg10[%dma_start3A_423, %dma_start3A_425, %dma_start3A_426] : memref<4x80x128xf32, #tpu.memory_space<vmem>> -> memref<1x80x128xf32, #tpu.memory_space<vmem>>
      %dma_start3A_428 = tpu.memref_squeeze %dma_start3A_427 : memref<1x80x128xf32, #tpu.memory_space<vmem>> -> memref<80x128xf32, #tpu.memory_space<vmem>>
      %dma_start3A_429 = arith.constant 0 : i32
      %dma_start3A_430 = tpu.memref_slice %arg7[%add3A_422, %dma_start3A_429] : memref<204800x128xf32, #tpu.memory_space<hbm>> -> memref<80x128xf32, #tpu.memory_space<hbm>>
      %dma_start3A_431 = tpu.memref_slice %arg12[%dma_start3A_424] : memref<4x!tpu.dma_semaphore, #tpu.memory_space<semaphore_mem>> -> memref<1x!tpu.dma_semaphore, #tpu.memory_space<semaphore_mem>>
      %dma_start3A_432 = tpu.memref_squeeze %dma_start3A_431 : memref<1x!tpu.dma_semaphore, #tpu.memory_space<semaphore_mem>> -> memref<!tpu.dma_semaphore, #tpu.memory_space<semaphore_mem>>
      %dma_start3A_433 = arith.constant 0 : i32
      %dma_start3A_434 = tpu.memref_slice %arg7[%add3A_422, %dma_start3A_433] : memref<204800x128xf32, #tpu.memory_space<hbm>> -> memref<80x128xf32, #tpu.memory_space<hbm>>
      %dma_start3A_435 = arith.constant 0 : i32
      %dma_start3A_436 = arith.constant 0 : i32
      %dma_start3A_437 = tpu.memref_slice %arg10[%dma_start3A_423, %dma_start3A_435, %dma_start3A_436] : memref<4x80x128xf32, #tpu.memory_space<vmem>> -> memref<1x80x128xf32, #tpu.memory_space<vmem>>
      %dma_start3A_438 = tpu.memref_squeeze %dma_start3A_437 : memref<1x80x128xf32, #tpu.memory_space<vmem>> -> memref<80x128xf32, #tpu.memory_space<vmem>>
      tpu.enqueue_dma source(%dma_start3A_438 : memref<80x128xf32, #tpu.memory_space<vmem>>) target(%dma_start3A_434 : memref<80x128xf32, #tpu.memory_space<hbm>>) target_semaphore(%dma_start3A_432 : memref<!tpu.dma_semaphore, #tpu.memory_space<semaphore_mem>>)
      %add3A_439 = arith.constant 4 : i32
      %add3A_440 = arith.addi %add3A_405, %add3A_439 : i32
      %lt3A_441 = arith.constant 80 : i32
      %lt3A_442 = arith.cmpi slt, %add3A_440, %lt3A_441 : i32
      %convert_element_type3A_443 = arith.extui %lt3A_442 : i1 to i32
      %cond3A_444 = arith.constant 0 : i32
      %cond3A_445 = arith.cmpi ne, %convert_element_type3A_443, %cond3A_444 : i32
      scf.if %cond3A_445 {
        %dma_wait3A_446 = arith.constant 3 : i32
        %dma_wait3A_447 = arith.constant 3 : i32
        %dma_wait3A_448 = arith.constant 0 : i32
        %dma_wait3A_449 = arith.constant 0 : i32
        %dma_wait3A_450 = tpu.memref_slice %arg10[%dma_wait3A_446, %dma_wait3A_448, %dma_wait3A_449] : memref<4x80x128xf32, #tpu.memory_space<vmem>> -> memref<1x80x128xf32, #tpu.memory_space<vmem>>
        %dma_wait3A_451 = tpu.memref_squeeze %dma_wait3A_450 : memref<1x80x128xf32, #tpu.memory_space<vmem>> -> memref<80x128xf32, #tpu.memory_space<vmem>>
        %dma_wait3A_452 = arith.constant 0 : i32
        %dma_wait3A_453 = tpu.memref_slice %arg7[%add3A_422, %dma_wait3A_452] : memref<204800x128xf32, #tpu.memory_space<hbm>> -> memref<80x128xf32, #tpu.memory_space<hbm>>
        %dma_wait3A_454 = tpu.memref_slice %arg12[%dma_wait3A_447] : memref<4x!tpu.dma_semaphore, #tpu.memory_space<semaphore_mem>> -> memref<1x!tpu.dma_semaphore, #tpu.memory_space<semaphore_mem>>
        %dma_wait3A_455 = tpu.memref_squeeze %dma_wait3A_454 : memref<1x!tpu.dma_semaphore, #tpu.memory_space<semaphore_mem>> -> memref<!tpu.dma_semaphore, #tpu.memory_space<semaphore_mem>>
        %dma_wait3A_456 = arith.constant 0 : i32
        %dma_wait3A_457 = tpu.memref_slice %arg7[%add3A_422, %dma_wait3A_456] : memref<204800x128xf32, #tpu.memory_space<hbm>> -> memref<80x128xf32, #tpu.memory_space<hbm>>
        %dma_wait3A_458 = arith.constant 0 : i32
        %dma_wait3A_459 = arith.constant 0 : i32
        %dma_wait3A_460 = tpu.memref_slice %arg10[%dma_wait3A_446, %dma_wait3A_458, %dma_wait3A_459] : memref<4x80x128xf32, #tpu.memory_space<vmem>> -> memref<1x80x128xf32, #tpu.memory_space<vmem>>
        %dma_wait3A_461 = tpu.memref_squeeze %dma_wait3A_460 : memref<1x80x128xf32, #tpu.memory_space<vmem>> -> memref<80x128xf32, #tpu.memory_space<vmem>>
        tpu.wait_dma2 semaphore(%dma_wait3A_455 : memref<!tpu.dma_semaphore, #tpu.memory_space<semaphore_mem>>) src(%dma_wait3A_461 : memref<80x128xf32, #tpu.memory_space<vmem>>) dst(%dma_wait3A_457 : memref<80x128xf32, #tpu.memory_space<hbm>>)
        %add3A_462 = arith.constant 4 : i32
        %add3A_463 = arith.addi %add3A_405, %add3A_462 : i32
        %dma_start3A_464 = arith.constant 3 : i32
        %dma_start3A_465 = arith.constant 3 : i32
        %dma_start3A_466 = arith.constant 0 : i32
        %dma_start3A_467 = arith.constant 0 : i32
        %dma_start3A_468 = tpu.memref_slice %arg10[%dma_start3A_464, %dma_start3A_466, %dma_start3A_467] : memref<4x80x128xf32, #tpu.memory_space<vmem>> -> memref<1x80x128xf32, #tpu.memory_space<vmem>>
        %dma_start3A_469 = tpu.memref_squeeze %dma_start3A_468 : memref<1x80x128xf32, #tpu.memory_space<vmem>> -> memref<80x128xf32, #tpu.memory_space<vmem>>
        %dma_start3A_470 = arith.constant 0 : i32
        %dma_start3A_471 = tpu.memref_slice %arg9[%add3A_463, %dma_start3A_470] : memref<80x80xi32, #tpu.memory_space<vmem>> -> memref<1x80xi32, #tpu.memory_space<vmem>>
        %dma_start3A_472 = tpu.memref_squeeze %dma_start3A_471 : memref<1x80xi32, #tpu.memory_space<vmem>> -> memref<80xi32, #tpu.memory_space<vmem>>
        %dma_start3A_473 = arith.constant 0 : i32
        %dma_start3A_474 = arith.constant 0 : i32
        %dma_start3A_475 = tpu.memref_slice %arg5[%dma_start3A_473, %dma_start3A_474] : memref<10082x128xf32, #tpu.memory_space<hbm>> -> memref<10082x128xf32, #tpu.memory_space<hbm>>
        %dma_start3A_476 = tpu.memref_slice %arg11[%dma_start3A_465] : memref<4x!tpu.dma_semaphore, #tpu.memory_space<semaphore_mem>> -> memref<1x!tpu.dma_semaphore, #tpu.memory_space<semaphore_mem>>
        %dma_start3A_477 = tpu.memref_squeeze %dma_start3A_476 : memref<1x!tpu.dma_semaphore, #tpu.memory_space<semaphore_mem>> -> memref<!tpu.dma_semaphore, #tpu.memory_space<semaphore_mem>>
        tpu.enqueue_indirect_dma source(%dma_start3A_475 : memref<10082x128xf32, #tpu.memory_space<hbm>>) target(%dma_start3A_469 : memref<80x128xf32, #tpu.memory_space<vmem>>) offsets(%dma_start3A_472 : memref<80xi32, #tpu.memory_space<vmem>>) semaphore(%dma_start3A_477 : memref<!tpu.dma_semaphore, #tpu.memory_space<semaphore_mem>>)
      } else {
      }
    }
    %scan3A_203 = arith.constant 20 : i32
    %add3A_204 = arith.constant 6080 : i32
    %add3A_205 = arith.addi %mul3A_138, %add3A_204 : i32
    %dma_wait3A_206 = arith.constant 0 : i32
    %dma_wait3A_207 = arith.constant 0 : i32
    %dma_wait3A_208 = arith.constant 0 : i32
    %dma_wait3A_209 = arith.constant 0 : i32
    %dma_wait3A_210 = tpu.memref_slice %arg10[%dma_wait3A_206, %dma_wait3A_208, %dma_wait3A_209] : memref<4x80x128xf32, #tpu.memory_space<vmem>> -> memref<1x80x128xf32, #tpu.memory_space<vmem>>
    %dma_wait3A_211 = tpu.memref_squeeze %dma_wait3A_210 : memref<1x80x128xf32, #tpu.memory_space<vmem>> -> memref<80x128xf32, #tpu.memory_space<vmem>>
    %dma_wait3A_212 = arith.constant 0 : i32
    %dma_wait3A_213 = tpu.memref_slice %arg7[%add3A_205, %dma_wait3A_212] : memref<204800x128xf32, #tpu.memory_space<hbm>> -> memref<80x128xf32, #tpu.memory_space<hbm>>
    %dma_wait3A_214 = tpu.memref_slice %arg12[%dma_wait3A_207] : memref<4x!tpu.dma_semaphore, #tpu.memory_space<semaphore_mem>> -> memref<1x!tpu.dma_semaphore, #tpu.memory_space<semaphore_mem>>
    %dma_wait3A_215 = tpu.memref_squeeze %dma_wait3A_214 : memref<1x!tpu.dma_semaphore, #tpu.memory_space<semaphore_mem>> -> memref<!tpu.dma_semaphore, #tpu.memory_space<semaphore_mem>>
    %dma_wait3A_216 = arith.constant 0 : i32
    %dma_wait3A_217 = tpu.memref_slice %arg7[%add3A_205, %dma_wait3A_216] : memref<204800x128xf32, #tpu.memory_space<hbm>> -> memref<80x128xf32, #tpu.memory_space<hbm>>
    %dma_wait3A_218 = arith.constant 0 : i32
    %dma_wait3A_219 = arith.constant 0 : i32
    %dma_wait3A_220 = tpu.memref_slice %arg10[%dma_wait3A_206, %dma_wait3A_218, %dma_wait3A_219] : memref<4x80x128xf32, #tpu.memory_space<vmem>> -> memref<1x80x128xf32, #tpu.memory_space<vmem>>
    %dma_wait3A_221 = tpu.memref_squeeze %dma_wait3A_220 : memref<1x80x128xf32, #tpu.memory_space<vmem>> -> memref<80x128xf32, #tpu.memory_space<vmem>>
    tpu.wait_dma2 semaphore(%dma_wait3A_215 : memref<!tpu.dma_semaphore, #tpu.memory_space<semaphore_mem>>) src(%dma_wait3A_221 : memref<80x128xf32, #tpu.memory_space<vmem>>) dst(%dma_wait3A_217 : memref<80x128xf32, #tpu.memory_space<hbm>>)
    %add3A_222 = arith.constant 6160 : i32
    %add3A_223 = arith.addi %mul3A_138, %add3A_222 : i32
    %dma_wait3A_224 = arith.constant 1 : i32
    %dma_wait3A_225 = arith.constant 1 : i32
    %dma_wait3A_226 = arith.constant 0 : i32
    %dma_wait3A_227 = arith.constant 0 : i32
    %dma_wait3A_228 = tpu.memref_slice %arg10[%dma_wait3A_224, %dma_wait3A_226, %dma_wait3A_227] : memref<4x80x128xf32, #tpu.memory_space<vmem>> -> memref<1x80x128xf32, #tpu.memory_space<vmem>>
    %dma_wait3A_229 = tpu.memref_squeeze %dma_wait3A_228 : memref<1x80x128xf32, #tpu.memory_space<vmem>> -> memref<80x128xf32, #tpu.memory_space<vmem>>
    %dma_wait3A_230 = arith.constant 0 : i32
    %dma_wait3A_231 = tpu.memref_slice %arg7[%add3A_223, %dma_wait3A_230] : memref<204800x128xf32, #tpu.memory_space<hbm>> -> memref<80x128xf32, #tpu.memory_space<hbm>>
    %dma_wait3A_232 = tpu.memref_slice %arg12[%dma_wait3A_225] : memref<4x!tpu.dma_semaphore, #tpu.memory_space<semaphore_mem>> -> memref<1x!tpu.dma_semaphore, #tpu.memory_space<semaphore_mem>>
    %dma_wait3A_233 = tpu.memref_squeeze %dma_wait3A_232 : memref<1x!tpu.dma_semaphore, #tpu.memory_space<semaphore_mem>> -> memref<!tpu.dma_semaphore, #tpu.memory_space<semaphore_mem>>
    %dma_wait3A_234 = arith.constant 0 : i32
    %dma_wait3A_235 = tpu.memref_slice %arg7[%add3A_223, %dma_wait3A_234] : memref<204800x128xf32, #tpu.memory_space<hbm>> -> memref<80x128xf32, #tpu.memory_space<hbm>>
    %dma_wait3A_236 = arith.constant 0 : i32
    %dma_wait3A_237 = arith.constant 0 : i32
    %dma_wait3A_238 = tpu.memref_slice %arg10[%dma_wait3A_224, %dma_wait3A_236, %dma_wait3A_237] : memref<4x80x128xf32, #tpu.memory_space<vmem>> -> memref<1x80x128xf32, #tpu.memory_space<vmem>>
    %dma_wait3A_239 = tpu.memref_squeeze %dma_wait3A_238 : memref<1x80x128xf32, #tpu.memory_space<vmem>> -> memref<80x128xf32, #tpu.memory_space<vmem>>
    tpu.wait_dma2 semaphore(%dma_wait3A_233 : memref<!tpu.dma_semaphore, #tpu.memory_space<semaphore_mem>>) src(%dma_wait3A_239 : memref<80x128xf32, #tpu.memory_space<vmem>>) dst(%dma_wait3A_235 : memref<80x128xf32, #tpu.memory_space<hbm>>)
    %add3A_240 = arith.constant 6240 : i32
    %add3A_241 = arith.addi %mul3A_138, %add3A_240 : i32
    %dma_wait3A_242 = arith.constant 2 : i32
    %dma_wait3A_243 = arith.constant 2 : i32
    %dma_wait3A_244 = arith.constant 0 : i32
    %dma_wait3A_245 = arith.constant 0 : i32
    %dma_wait3A_246 = tpu.memref_slice %arg10[%dma_wait3A_242, %dma_wait3A_244, %dma_wait3A_245] : memref<4x80x128xf32, #tpu.memory_space<vmem>> -> memref<1x80x128xf32, #tpu.memory_space<vmem>>
    %dma_wait3A_247 = tpu.memref_squeeze %dma_wait3A_246 : memref<1x80x128xf32, #tpu.memory_space<vmem>> -> memref<80x128xf32, #tpu.memory_space<vmem>>
    %dma_wait3A_248 = arith.constant 0 : i32
    %dma_wait3A_249 = tpu.memref_slice %arg7[%add3A_241, %dma_wait3A_248] : memref<204800x128xf32, #tpu.memory_space<hbm>> -> memref<80x128xf32, #tpu.memory_space<hbm>>
    %dma_wait3A_250 = tpu.memref_slice %arg12[%dma_wait3A_243] : memref<4x!tpu.dma_semaphore, #tpu.memory_space<semaphore_mem>> -> memref<1x!tpu.dma_semaphore, #tpu.memory_space<semaphore_mem>>
    %dma_wait3A_251 = tpu.memref_squeeze %dma_wait3A_250 : memref<1x!tpu.dma_semaphore, #tpu.memory_space<semaphore_mem>> -> memref<!tpu.dma_semaphore, #tpu.memory_space<semaphore_mem>>
    %dma_wait3A_252 = arith.constant 0 : i32
    %dma_wait3A_253 = tpu.memref_slice %arg7[%add3A_241, %dma_wait3A_252] : memref<204800x128xf32, #tpu.memory_space<hbm>> -> memref<80x128xf32, #tpu.memory_space<hbm>>
    %dma_wait3A_254 = arith.constant 0 : i32
    %dma_wait3A_255 = arith.constant 0 : i32
    %dma_wait3A_256 = tpu.memref_slice %arg10[%dma_wait3A_242, %dma_wait3A_254, %dma_wait3A_255] : memref<4x80x128xf32, #tpu.memory_space<vmem>> -> memref<1x80x128xf32, #tpu.memory_space<vmem>>
    %dma_wait3A_257 = tpu.memref_squeeze %dma_wait3A_256 : memref<1x80x128xf32, #tpu.memory_space<vmem>> -> memref<80x128xf32, #tpu.memory_space<vmem>>
    tpu.wait_dma2 semaphore(%dma_wait3A_251 : memref<!tpu.dma_semaphore, #tpu.memory_space<semaphore_mem>>) src(%dma_wait3A_257 : memref<80x128xf32, #tpu.memory_space<vmem>>) dst(%dma_wait3A_253 : memref<80x128xf32, #tpu.memory_space<hbm>>)
    %add3A_258 = arith.constant 6320 : i32
    %add3A_259 = arith.addi %mul3A_138, %add3A_258 : i32
    %dma_wait3A_260 = arith.constant 3 : i32
    %dma_wait3A_261 = arith.constant 3 : i32
    %dma_wait3A_262 = arith.constant 0 : i32
    %dma_wait3A_263 = arith.constant 0 : i32
    %dma_wait3A_264 = tpu.memref_slice %arg10[%dma_wait3A_260, %dma_wait3A_262, %dma_wait3A_263] : memref<4x80x128xf32, #tpu.memory_space<vmem>> -> memref<1x80x128xf32, #tpu.memory_space<vmem>>
    %dma_wait3A_265 = tpu.memref_squeeze %dma_wait3A_264 : memref<1x80x128xf32, #tpu.memory_space<vmem>> -> memref<80x128xf32, #tpu.memory_space<vmem>>
    %dma_wait3A_266 = arith.constant 0 : i32
    %dma_wait3A_267 = tpu.memref_slice %arg7[%add3A_259, %dma_wait3A_266] : memref<204800x128xf32, #tpu.memory_space<hbm>> -> memref<80x128xf32, #tpu.memory_space<hbm>>
    %dma_wait3A_268 = tpu.memref_slice %arg12[%dma_wait3A_261] : memref<4x!tpu.dma_semaphore, #tpu.memory_space<semaphore_mem>> -> memref<1x!tpu.dma_semaphore, #tpu.memory_space<semaphore_mem>>
    %dma_wait3A_269 = tpu.memref_squeeze %dma_wait3A_268 : memref<1x!tpu.dma_semaphore, #tpu.memory_space<semaphore_mem>> -> memref<!tpu.dma_semaphore, #tpu.memory_space<semaphore_mem>>
    %dma_wait3A_270 = arith.constant 0 : i32
    %dma_wait3A_271 = tpu.memref_slice %arg7[%add3A_259, %dma_wait3A_270] : memref<204800x128xf32, #tpu.memory_space<hbm>> -> memref<80x128xf32, #tpu.memory_space<hbm>>
    %dma_wait3A_272 = arith.constant 0 : i32
    %dma_wait3A_273 = arith.constant 0 : i32
    %dma_wait3A_274 = tpu.memref_slice %arg10[%dma_wait3A_260, %dma_wait3A_272, %dma_wait3A_273] : memref<4x80x128xf32, #tpu.memory_space<vmem>> -> memref<1x80x128xf32, #tpu.memory_space<vmem>>
    %dma_wait3A_275 = tpu.memref_squeeze %dma_wait3A_274 : memref<1x80x128xf32, #tpu.memory_space<vmem>> -> memref<80x128xf32, #tpu.memory_space<vmem>>
    tpu.wait_dma2 semaphore(%dma_wait3A_269 : memref<!tpu.dma_semaphore, #tpu.memory_space<semaphore_mem>>) src(%dma_wait3A_275 : memref<80x128xf32, #tpu.memory_space<vmem>>) dst(%dma_wait3A_271 : memref<80x128xf32, #tpu.memory_space<hbm>>)
    return
  }
}

</mosaic_0001>

<sc_bundles>
// kernel: kernel.3.cloned.1.call-start
scs
__scs_entry_jumppad:
0x0: {  	(pc) =	sbr.rel $0x88, $3  }
0x1: {  	(tag) =	ssettag $0x0;
	lr =	simm.s32 $0x1  }
0x2: {  	[smem:$0x3F9D] =	sst lr;
	_ =	strace $0xD0000000  }
0x3: {  	_ = 	snop  }
0x4: {  	_ = 	snop  }
0x5: {  	_ = 	snop  }
0x6: {  	_ = 	snop  }
0x7: {  	_ = 	snop  }
__scs_overlays_trampoline_lowered:
0x8: {  	[smem:$0x3FAC] =	sst s0  }
0x9: {  	[smem:$0x3FAD] =	sst s1  }
0xa: {  	[smem:$0x3FAE] =	sst s2  }
0xb: {  	[smem:$0x3FAF] =	sst s3  }
0xc: {  	[smem:$0x3FB0] =	sst s4  }
0xd: {  	[smem:$0x3FB1] =	sst s5  }
0xe: {  	[smem:$0x3FB2] =	sst s6  }
0xf: {  	[smem:$0x3FB3] =	sst s7  }
0x10: {  	[smem:$0x3FB4] =	sst s8  }
0x11: {  	[smem:$0x3FB5] =	sst s9;
	s0 =	simm.s32 @!p0 $0x0  }
0x12: {  	s1 =	sld [smem:$0x3F9B];
	s0 =	simm.s32 @p0 $0x1  }
0x13: {  	[smem:$0x3FB6] =	sst s0;
	s0 =	simm.s32 @!p1 $0x0  }
0x14: {  	s2 =	sld [smem:$0x3F9A];
	s0 =	simm.s32 @p1 $0x1  }
0x15: {  	[smem:$0x3FB7] =	sst s0;
	s0 =	simm.s32 @!p2 $0x0  }
0x16: {  	s3 =	sld [smem:$0x3FDB];
	s0 =	simm.s32 @p2 $0x1  }
0x17: {  	s4 =	simm.s32 $0x1BF5;
	[smem:$0x3FB9] =	sst s0  }
0x18: {  	s0 =	sld [smem:$0x3F9C];
	_ =	swait.ge [sflag:s4], $0x0  }
0x19: {  	s7 =	sld [smem:$0x3F9D]  }
0x1a: {  	s8 =	sadd.s32 $0xFFFFE003, lr  }
0x1b: {  	s9 =	sadd.s32 $0xFFFFFEF7, lr;
	s5 =	simm.s32 $0xFFFFFFFF;
	p2 =	slt.u32 s8, $0xFFFFF086  }
0x1c: {  	p1 =	slt.u32 s9, $0xF7A;
	s5 =	simm.s32 @!p2 $0x0  }
0x1d: {  	s5 =	simm.s32 @p1 $0x1;
	p0 =	seq.s32 s7, s2  }
0x1e: {  	s7 =	smul.u32 @!p0 $0xF7A, s2;
	p2 =	seq.s32 @!p0 s5, $0x0  }
0x1f: {  	s9 =	smul.u32 $0xF7A, s1;
	s8 =	simm.s32 @!p0 $0x1BF5;
	p2 =	por !p2, p0  }
0x20: {  	[sflag:s8] =	ssyncset.s32 @!p0 $0xFFFFF086;
	s6 =	sadd.s32 @!p0 s3, s7;
	s7 =	simm.s32 @!p0 $0x108  }
0x21: {  	s3 =	sadd.s32 s3, s9;
	s6 =	sadd.s32 @!p0 $0x88, s6;
	s7 =	simm.s32 @p2 $0x1082  }
0x22: {  	[simem:s7], [sflag:s8] =	dma.local @!p0 [hbm:s6], $0xF7A  }
0x23: {  	s9 =	sor.u32 $0xD0000000, s2;
	s6 =	simm.s32 $0x108;
	_ =	swait.ge @!p0 [sflag:s8], $0x0  }
0x24: {  	s3 =	sadd.s32 $0x88, s3;
	s6 =	simm.s32 @!p1 $0x1082;
	[sflag:s4] =	ssyncset.s32 $0xFFFFF086  }
0x25: {  	[simem:s6], [sflag:s4] =	dma.local [hbm:s3], $0xF7A  }
0x26: {  	[smem:$0x3F9D] =	sst s1;
	(tag) =	ssettag s2;
	_ =	strace s9  }
0x27: {  	s1 =	sld [smem:$0x3FAD]  }
0x28: {  	s2 =	sld [smem:$0x3FAE]  }
0x29: {  	s4 =	sld [smem:$0x3FB0]  }
0x2a: {  	p0 =	seq.s32 s5, $0x0;
	s5 =	sld [smem:$0x3FB1]  }
0x2b: {  	s6 =	sld [smem:$0x3FB2]  }
0x2c: {  	s7 =	sld [smem:$0x3FB3]  }
0x2d: {  	s3 =	simm.s32 $0x108;
	s8 =	sld [smem:$0x3FB4]  }
0x2e: {  	s3 =	simm.s32 @!p0 $0x1082;
	s9 =	sld [smem:$0x3FB5]  }
0x2f: {  	lr =	sadd.s32 s0, s3;
	s0 =	sld [smem:$0x3FAC]  }
0x30: {  	s3 =	sld [smem:$0x3FAF]  }
0x31: {  	[smem:$0x3FB8] =	sst s10  }
0x32: {  	s10 =	sld [smem:$0x3FB6];
	_ =	sdelay $0x3  }
0x33: {  	p0 =	seq.s32 s10, $0x1;
	s10 =	sld [smem:$0x3FB8];
	_ =	sdelay $0x3  }
0x34: {  	[smem:$0x3FB8] =	sst s10  }
0x35: {  	s10 =	sld [smem:$0x3FB7];
	_ =	sdelay $0x3  }
0x36: {  	p1 =	seq.s32 s10, $0x1;
	s10 =	sld [smem:$0x3FB8];
	_ =	sdelay $0x3  }
0x37: {  	[smem:$0x3FB8] =	sst s10  }
0x38: {  	s10 =	sld [smem:$0x3FB9]  }
0x39: {  	_ = 	snop;
	(pc) =	sbr.ind lr, $3  }
0x3a: {  	_ = 	snop  }
0x3b: {  	_ = 	snop  }
0x3c: {  	p2 =	seq.s32 s10, $0x1;
	s10 =	sld [smem:$0x3FB8]  }
0x3d: {  	_ =	shalt  }
0x3e: {  	_ =	shalt  }
0x3f: {  	_ =	shalt  }
0x40: {  	_ =	shalt  }
0x41: {  	_ =	shalt  }
0x42: {  	_ =	shalt  }
0x43: {  	_ =	shalt  }
0x44: {  	_ =	shalt  }
0x45: {  	_ =	shalt  }
0x46: {  	_ =	shalt  }
0x47: {  	_ =	shalt  }
0x48: {  	_ =	shalt  }
0x49: {  	_ =	shalt  }
0x4a: {  	_ =	shalt  }
0x4b: {  	_ =	shalt  }
0x4c: {  	_ =	shalt  }
0x4d: {  	_ =	shalt  }
0x4e: {  	_ =	shalt  }
0x4f: {  	_ =	shalt  }
0x50: {  	_ =	shalt  }
0x51: {  	_ =	shalt  }
0x52: {  	_ =	shalt  }
0x53: {  	_ =	shalt  }
0x54: {  	_ =	shalt  }
0x55: {  	_ =	shalt  }
0x56: {  	_ =	shalt  }
0x57: {  	_ =	shalt  }
0x58: {  	_ =	shalt  }
0x59: {  	_ =	shalt  }
0x5a: {  	_ =	shalt  }
0x5b: {  	_ =	shalt  }
0x5c: {  	_ =	shalt  }
0x5d: {  	_ =	shalt  }
0x5e: {  	_ =	shalt  }
0x5f: {  	_ =	shalt  }
0x60: {  	_ =	shalt  }
0x61: {  	_ =	shalt  }
0x62: {  	_ =	shalt  }
0x63: {  	_ =	shalt  }
0x64: {  	_ =	shalt  }
0x65: {  	_ =	shalt  }
0x66: {  	_ =	shalt  }
0x67: {  	_ =	shalt  }
0x68: {  	_ =	shalt  }
0x69: {  	_ =	shalt  }
0x6a: {  	_ =	shalt  }
0x6b: {  	_ =	shalt  }
0x6c: {  	_ =	shalt  }
0x6d: {  	_ =	shalt  }
0x6e: {  	_ =	shalt  }
0x6f: {  	_ =	shalt  }
0x70: {  	_ =	shalt  }
0x71: {  	_ =	shalt  }
0x72: {  	_ =	shalt  }
0x73: {  	_ =	shalt  }
0x74: {  	_ =	shalt  }
0x75: {  	_ =	shalt  }
0x76: {  	_ =	shalt  }
0x77: {  	_ =	shalt  }
0x78: {  	_ =	shalt  }
0x79: {  	_ =	shalt  }
0x7a: {  	_ =	shalt  }
0x7b: {  	_ =	shalt  }
0x7c: {  	_ =	shalt  }
0x7d: {  	_ =	shalt  }
0x7e: {  	_ =	shalt  }
0x7f: {  	_ =	shalt  }
0x80: {  	_ =	shalt  }
0x81: {  	_ =	shalt  }
0x82: {  	_ =	shalt  }
0x83: {  	_ =	shalt  }
0x84: {  	_ =	shalt  }
0x85: {  	_ =	shalt  }
0x86: {  	_ =	shalt  }
0x87: {  	_ =	shalt  }
.Lfunc_end0:
.L_simem_size_0:
called_computation_lowered:
.L_overlay_start_0:
0x88: {  	s2 =	sld [smem:$0x3FD9]  }
0x89: {  	s3 =	sld [smem:$0x3FFE];
	_ =	sdelay $0x1  }
0x8a: {  	s1 =	srdreg.scid  }
0x8b: {  	s0 =	sand.u32 $0x1, s1  }
0x8c: {  	s14 =	sshll.u32 s0, $0xA;
	s2 =	sadd.s32 s3, s2  }
0x8d: {  	s2 =	sadd.s32 s2, s14  }
0x8e: {  	[smem:$0x3FC4] =	sst s2  }
0x8f: {  	_ = 	snop  }
0x90: {  	s2 =	sld [smem:$0x3FD0];
	_ =	sdelay $0x1  }
0x91: {  	s15 =	sld [smem:$0x3FC7]  }
0x92: {  	s5 =	simm.s32 $0xA;
	s6 =	simm.s32 $0x10;
	s4 =	sld [smem:$0x3FC6]  }
0x93: {  	[smem:s6], [sflag:s5] =	dma.local [hbm:s2], $0x1  }
0x94: {  	_ =	swait.eq [sflag:s5], $0x1  }
0x95: {  	[sflag:s5] =	ssyncset.done $0x0  }
0x96: {  	s16 =	sld [smem:$0x10];
	[sflag:s5] =	ssyncadd.s32 $0xFFFFFFFF  }
0x97: {  	s17 =	sld [smem:$0x11];
	(tm) =	ssettm $0x1  }
0x98: {  	s18 =	sld [smem:$0x3FFB];
	_ =	sdelay $0x3  }
0x99: {  	_ =	strace s18  }
0x9a: {  	s6 =	sld [smem:$0x3FFC];
	_ =	sdelay $0x3  }
0x9b: {  	_ =	strace s6  }
0x9c: {  	s6 =	sld [smem:$0x3FFD];
	_ =	sdelay $0x3  }
0x9d: {  	_ =	strace s6  }
0x9e: {  	_ =	strace $0x8FFFFFFF  }
0x9f: {  	s19 =	sld [smem:$0x3FDB];
	_ =	sdelay $0x1  }
0xa0: {  	s7 =	simm.s32 $_scs_section_size  }
0xa1: {  	s8 =	simm.s32 $_size__tile_overlayer_lowered;
	s9 =	simm.s32 $_tile_overlayer_lowered  }
0xa2: {  	s22 =	simm.s32 $0x1BFF;
	s21 =	sshll.u32 s9, $0x1;
	s6 =	sadd.s32 s7, s19  }
0xa3: {  	s10 =	simm.s32 $0x0;
	s20 =	sshll.u32 s8, $0x1;
	s8 =	sadd.s32 s21, s6  }
0xa4: {  	[timem:s10], [sflag:s22] =	dma.local [hbm:s8], s20  }
0xa5: {  	_ =	swait.ge [sflag:s22], s20  }
0xa6: {  	s7 =	ssub.s32 $0x0, s20;
	[sflag:s22] =	ssyncset.done $0x0  }
0xa7: {  	[sflag:s22] =	ssyncadd.s32 s7;
	_ =	sdelay $0x1  }
0xa8: {  	s23 =	simm.s32 $0x1B8B  }
0xa9: {  	_ =	swait.ge [sflag:s23], $0x1  }
0xaa: {  	[sflag:s23] =	ssyncset.done $0x0  }
0xab: {  	s25 =	simm.s32 $0x1B8E;
	s24 =	sld [smem:$0x3FFE];
	[sflag:s23] =	ssyncadd.s32 $0xFFFFFFFF  }
0xac: {  	s26 =	simm.s32 $execute0_lowered;
	[smem:$0x3FD2] =	sst s25  }
0xad: {  	s8 =	sshll.u32 s26, $0x1;
	_ =	strace $0x80000046;
	[dreg:$0x1] =	wrdreg $0xFFFFFFFF  }
0xae: {  	s28 =	simm.s32 $_size_execute0_lowered;
	s6 =	sadd.s32 s6, s8;
	[dreg:$0x0] =	wrdreg $0x0  }
0xaf: {  	s8 =	sshll.u32 s28, $0x1;
	[dreg:$0x2] =	wrdreg s6  }
0xb0: {  	[dreg:$0x3] =	wrdreg s8  }
0xb1: {  	[dreg:$0x4] =	wrdreg $0xC0  }
0xb2: {  	_ =	task [dreg:s10], $0x5FFFF  }
0xb3: {  	[dreg:$0x1] =	wrdreg $0xFFFFFFFF  }
0xb4: {  	[dreg:$0x0] =	wrdreg $0x60  }
0xb5: {  	[dreg:$0x2] =	wrdreg s24  }
0xb6: {  	[dreg:$0x3] =	wrdreg s15  }
0xb7: {  	[dreg:$0x4] =	wrdreg s4  }
0xb8: {  	[dreg:$0x5] =	wrdreg s16  }
0xb9: {  	[dreg:$0x6] =	wrdreg s17  }
0xba: {  	[dreg:$0x7] =	wrdreg $0x9  }
0xbb: {  	_ =	task.clear_ibuf [dreg:s10], $0x8FFFF;
	_ =	strace $0x90000046  }
0xbc: {  	s29 =	simm.s32 $0x9;
	_ =	strace $0x80000048  }
0xbd: {  	_ =	swait.ge [sflag:s29], $0x1  }
0xbe: {  	[sflag:s29] =	ssyncadd.s32 $0xFFFFFFFF  }
0xbf: {  	_ =	strace $0x90000048  }
0xc0: {  	_ =	sfence  }
0xc1: {  	s30 =	sld [smem:$0x0];
	_ =	sdelay $0x2  }
0xc2: {  	s31 =	sshll.u32 s1, $0xD;
	s1 =	sshrl.u32 s1, $0x2  }
0xc3: {  	s3 =	sand.u32 $0x4000, s31;
	s1 =	sadd.s32 s1, s30  }
0xc4: {  	s0 =	sor.u32 s3, s0;
	s1 =	sshll.u32 s1, $0x11  }
0xc5: {  	s0 =	sor.u32 s1, s0  }
0xc6: {  	s0 =	sadd.s32 $0x8F2B, s0  }
0xc7: {  	[sflag:s0] =	ssyncadd.remote.s32 $0x1  }
0xc8: {  	_ =	sfence.sel $0xFFFF  }
0xc9: {  	[dreg:$0x0] =	wrdreg $0xFFFFFFFF;
	(pc) =	sbr.abs _section_cstart, $3  }
0xca: {  	[dreg:$0x1] =	wrdreg $0xFFFFFFFF  }
0xcb: {  	_ =	task.clear_ibuf [dreg:s10], $0x2FFFF;
	_ =	strace $0x9FFFFFFF  }
0xcc: {  	(tm) =	ssettm $0x7FFFFFFF  }
0xcd: {  	_ =	shalt  }
tec
execute0_lowered:
.L_overlay_start_1:
0x0: {  	(tag) =	ssettag $0x1  }
0x1: {  	s0 =	rddreg [dreg:$0x0]  }
0x2: {  	s1 =	rddreg [dreg:$0x1]  }
0x3: {  	s2 =	rddreg [dreg:$0x2]  }
0x4: {  	s3 =	rddreg [dreg:$0x3];
	s4 =	srdreg.scid  }
0x5: {  	s15 =	stileid.u32;
	s11 =	rddreg [dreg:$0x4]  }
0x6: {  	s17 =	simm.s32 $0x3400;
	s19 =	simm.s32 $0x5C00;
	s13 =	smul.u32 $0xC800, s15  }
0x7: {  	s10 =	sand.u32 $0x1, s4;
	s5 =	sshll.u32 s15, $0x1;
	s15 =	smul.u32 $0x32000, s15  }
0x8: {  	s28 =	simm.s32 $0x5;
	s29 =	simm.s32 $0x6;
	s14 =	smul.u32 $0x6400, s10  }
0x9: {  	s30 =	simm.s32 $0x7;
	s5 =	sor.u32 s10, s5;
	s16 =	smul.u32 $0x19000, s10  }
0xa: {  	s31 =	simm.s32 $0x8;
	s4 =	simm.s32 $0x0;
	s6 =	smul.u32 $0x180, s5  }
0xb: {  	s20 =	simm.s32 $0x0;
	[smem:$0x7FF] =	sst s4;
	s7 =	smul.u32 $0x500, s5  }
0xc: {  	s8 =	ssub.s32 $0x2, s10;
	_ =	strace $0x80000047;
	s9 =	smul.u32 $0x6400, s5  }
0xd: {  	s21 =	sshrl.u32 s8, $0x1;
	s12 =	smul.u32 $0x19000, s5;
	s26 =	sadd.s32 s15, s11  }
0xe: {  	s15 =	simm.s32 $0xC00;
	s6 =	sadd.s32 s6, s0;
	s0 =	sadd.s32 s7, s0  }
0xf: {  	s7 =	ssub.s32 s8, s21;
	s23 =	sadd.s32 s3, s9;
	s25 =	sadd.s32 s11, s12  }
0x10: {  	s3 =	sadd.s32 s13, s3;
	s13 =	sadd.s32 s16, s26;
	s16 =	simm.s32 $0x50  }
0x11: {  	s21 =	simm.s32 $0x8400;
	s26 =	simm.s32 $0x4;
	s22 =	sadd.s32 $0x800, s6  }
.Ltmp0:
0x12: {  	s0 =	sadd.s32 $0x3800, s0;
	s24 =	smax.u32 s7, $0x1;
	(pc) =	sbr.rel .LBB2_1-.Ltmp0, $4  }
0x13: {  	s8 =	sadd.s32 $0x5500, s23;
	s9 =	sadd.s32 $0x5F00, s23;
	s10 =	sadd.s32 $0x18100, s25  }
0x14: {  	s11 =	sadd.s32 $0x18B00, s25;
	s12 =	sadd.s32 s14, s3;
	[dreg:$0x6] =	wrdreg s22  }
0x15: {  	s14 =	simm.s32 $0x9;
	s23 =	simm.s32 $0xAC00;
	[dreg:$0x7] =	wrdreg s0  }
0x16: {  	s25 =	simm.s32 $0x3;
	[dreg:$0x8] =	wrdreg s24;
	s24 =	simm.s32 $0x1  }
.LBB2_7:
0x17: {  	_ =	swait.ge [sflag:s26], $0x2800  }
0x18: {  	[sflag:s26] =	ssyncset.done $0x0  }
0x19: {  	[sflag:s26] =	ssyncadd.s32 $0xFFFFD800  }
0x1a: {  	[hbm4b:s11+s4] =	stream.linear.scatter [tilespmem:s23], [sflag:$0x8], $0x2800, $0x38;
	[tilespmem:$0xD400] =	vst v63  }
0x1b: {  	_ =	swait.ge [sflag:s28], $0x2800  }
0x1c: {  	[sflag:s28] =	ssyncset.done $0x0  }
0x1d: {  	[sflag:s28] =	ssyncadd.s32 $0xFFFFD800  }
0x1e: {  	_ =	swait.ge [sflag:s29], $0x2800  }
0x1f: {  	[sflag:s29] =	ssyncset.done $0x0  }
0x20: {  	[sflag:s29] =	ssyncadd.s32 $0xFFFFD800  }
0x21: {  	_ =	swait.ge [sflag:s30], $0x2800  }
0x22: {  	[sflag:s30] =	ssyncset.done $0x0  }
0x23: {  	[sflag:s30] =	ssyncadd.s32 $0xFFFFD800  }
0x24: {  	_ =	swait.ge [sflag:s31], $0x2800  }
0x25: {  	s20 =	sadd.s32 $0x1, s20;
	s0 =	rddreg [dreg:$0x8]  }
0x26: {  	p0 =	sne.s32 s20, s0  }
.Ltmp1:
0x27: {  	_ = 	snop;
	(pc) =	sbr.rel @!p0 .LBB2_8-.Ltmp1, $3  }
0x28: {  	_ =	sdelay $0x1  }
0x29: {  	[sflag:s31] =	ssyncset.done $0x0  }
0x2a: {  	[sflag:s31] =	ssyncadd.s32 $0xFFFFD800  }
.LBB2_1:
0x2b: {  	s0 =	rddreg [dreg:$0x6]  }
0x2c: {  	[tilespmem:s4], [sflag:$0x9] =	stream.linear.gather [hbm4b:s0+s4], $0xA00, $0x38;
	[tilespmem:$0xD400] =	vst v63  }
0x2d: {  	_ =	swait.ge [sflag:s14], $0xA00  }
0x2e: {  	[sflag:s14] =	ssyncset.done $0x0  }
0x2f: {  	s6 =	rddreg [dreg:$0x7];
	[sflag:s14] =	ssyncadd.s32 $0xFFFFF600  }
0x30: {  	[tilespmem:s15], [sflag:$0x9] =	stream.linear.gather [hbm4b:s6+s4], $0x2800, $0x38;
	[tilespmem:$0xD400] =	vst v63  }
0x31: {  	_ =	swait.ge [sflag:s14], $0x2800  }
0x32: {  	[sflag:s14] =	ssyncset.done $0x0  }
0x33: {  	[sflag:s14] =	ssyncadd.s32 $0xFFFFD800  }
0x34: {  	[tilespmem:s17], [sflag:$0x1] =	stream.indirect.gather [hbm4b:s1+s16], $0x80, s4, s16, $0xb8;
	[tilespmem:$0xD400] =	vst v63  }
0x35: {  	s7 =	simm.s32 $0x80  }
0x36: {  	[tilespmem:s19], [sflag:$0x2] =	stream.indirect.gather [hbm4b:s1+s16], $0x80, s7, s16, $0xb8;
	[tilespmem:$0xD400] =	vst v63  }
0x37: {  	s18 =	simm.s32 $0x100  }
0x38: {  	[tilespmem:s21], [sflag:$0x3] =	stream.indirect.gather [hbm4b:s1+s16], $0x80, s18, s16, $0xb8;
	[tilespmem:$0xD400] =	vst v63  }
0x39: {  	s22 =	simm.s32 $0x180  }
0x3a: {  	[tilespmem:s23], [sflag:$0x4] =	stream.indirect.gather [hbm4b:s1+s16], $0x80, s22, s16, $0xb8;
	[tilespmem:$0xD400] =	vst v63  }
0x3b: {  	s3 =	simm.s32 $0x0;
	s22 =	simm.s32 $0x380  }
.LBB2_2:
0x3c: {  	_ =	swait.ge [sflag:s24], $0x2800  }
0x3d: {  	p0 =	seq.s32 s3, $0x5000;
	[sflag:s24] =	ssyncset.done $0x0  }
0x3e: {  	s0 =	sadd.s32 s3, s12;
	s18 =	simm.s32 @p0 $0x2;
	[sflag:s24] =	ssyncadd.s32 $0xFFFFD800  }
0x3f: {  	[hbm4b:s0+s4] =	stream.linear.scatter [tilespmem:s17], [sflag:$0x5], $0x2800, $0x38;
	[tilespmem:$0xD400] =	vst v63  }
0x40: {  	_ =	swait.ge @p0 [sflag:s18], $0x2800  }
0x41: {  	[sflag:s18] =	ssyncset.done @p0 $0x0  }
0x42: {  	s5 =	simm.s32 @p0 $0x5C00;
	[sflag:s18] =	ssyncadd.s32 @p0 $0xFFFFD800;
	s18 =	simm.s32 @p0 $0x0  }
0x43: {  	[hbm4b:s8+s18] =	stream.linear.scatter @p0 [tilespmem:s5], [sflag:$0x6], $0x2800, $0x38;
	[tilespmem:$0xD400] =	vst v63  }
0x44: {  	s5 =	simm.s32 @!p0 $0x5  }
0x45: {  	_ =	swait.ge @!p0 [sflag:s5], $0x2800  }
0x46: {  	s6 =	simm.s32 @!p0 $0x3400;
	[sflag:s5] =	ssyncset.done @!p0 $0x0  }
0x47: {  	s18 =	simm.s32 @!p0 $0x50;
	[sflag:s5] =	ssyncadd.s32 @!p0 $0xFFFFD800;
	s5 =	sadd.s32 @!p0 $0xFFFFFE80, s22  }
0x48: {  	[tilespmem:s6], [sflag:$0x1] =	stream.indirect.gather @!p0 [hbm4b:s1+s18], $0x80, s5, s18, $0xb8;
	[tilespmem:$0xD400] =	vst v63  }
0x49: {  	s5 =	simm.s32 @!p0 $0x2  }
0x4a: {  	_ =	swait.ge @!p0 [sflag:s5], $0x2800  }
0x4b: {  	[sflag:s5] =	ssyncset.done @!p0 $0x0  }
0x4c: {  	[sflag:s5] =	ssyncadd.s32 @!p0 $0xFFFFD800;
	s5 =	sadd.s32 @!p0 s3, s12  }
0x4d: {  	s7 =	simm.s32 @!p0 $0x5C00;
	s6 =	simm.s32 @!p0 $0x0;
	s5 =	sadd.s32 @!p0 $0x500, s5  }
0x4e: {  	[hbm4b:s5+s6] =	stream.linear.scatter @!p0 [tilespmem:s7], [sflag:$0x6], $0x2800, $0x38;
	[tilespmem:$0xD400] =	vst v63  }
0x4f: {  	s5 =	simm.s32 @!p0 $0x6  }
0x50: {  	_ =	swait.ge @!p0 [sflag:s5], $0x2800  }
0x51: {  	[sflag:s5] =	ssyncset.done @!p0 $0x0  }
0x52: {  	[sflag:s5] =	ssyncadd.s32 @!p0 $0xFFFFD800;
	s5 =	sadd.s32 @!p0 $0xFFFFFF00, s22  }
0x53: {  	[tilespmem:s7], [sflag:$0x2] =	stream.indirect.gather @!p0 [hbm4b:s1+s18], $0x80, s5, s18, $0xb8;
	[tilespmem:$0xD400] =	vst v63  }
.Ltmp2:
0x54: {  	_ = 	snop;
	(pc) =	sbr.rel @p0 .LBB2_4-.Ltmp2, $4  }
0x55: {  	_ =	swait.ge [sflag:s25], $0x2800  }
0x56: {  	[sflag:s25] =	ssyncset.done $0x0  }
0x57: {  	s18 =	sadd.s32 $0xA00, s0;
	[sflag:s25] =	ssyncadd.s32 $0xFFFFD800  }
0x58: {  	[hbm4b:s18+s4] =	stream.linear.scatter [tilespmem:s21], [sflag:$0x7], $0x2800, $0x38;
	[tilespmem:$0xD400] =	vst v63  }
0x59: {  	_ =	swait.ge [sflag:s30], $0x2800  }
0x5a: {  	[sflag:s30] =	ssyncset.done $0x0  }
0x5b: {  	s5 =	sadd.s32 $0xFFFFFF80, s22;
	[sflag:s30] =	ssyncadd.s32 $0xFFFFD800  }
0x5c: {  	[tilespmem:s21], [sflag:$0x3] =	stream.indirect.gather [hbm4b:s1+s16], $0x80, s5, s16, $0xb8;
	[tilespmem:$0xD400] =	vst v63  }
0x5d: {  	_ =	swait.ge [sflag:s26], $0x2800  }
0x5e: {  	[sflag:s26] =	ssyncset.done $0x0  }
0x5f: {  	s0 =	sadd.s32 $0xF00, s0;
	[sflag:s26] =	ssyncadd.s32 $0xFFFFD800  }
0x60: {  	[hbm4b:s0+s4] =	stream.linear.scatter [tilespmem:s23], [sflag:$0x8], $0x2800, $0x38;
	[tilespmem:$0xD400] =	vst v63  }
.Ltmp3:
0x61: {  	_ =	swait.ge [sflag:s31], $0x2800;
	(pc) =	sbr.rel .LBB2_2-.Ltmp3, $4  }
0x62: {  	[sflag:s31] =	ssyncset.done $0x0  }
0x63: {  	[sflag:s31] =	ssyncadd.s32 $0xFFFFD800  }
0x64: {  	[tilespmem:s23], [sflag:$0x4] =	stream.indirect.gather [hbm4b:s1+s16], $0x80, s22, s16, $0xb8;
	[tilespmem:$0xD400] =	vst v63  }
0x65: {  	s3 =	sadd.s32 $0x1400, s3;
	s22 =	sadd.s32 $0x200, s22  }
.LBB2_4:
0x66: {  	_ =	swait.ge [sflag:s26], $0x2800  }
0x67: {  	[sflag:s26] =	ssyncset.done $0x0  }
0x68: {  	s22 =	simm.s32 $0x0;
	[sflag:s26] =	ssyncadd.s32 $0xFFFFD800  }
0x69: {  	[hbm4b:s9+s22] =	stream.linear.scatter [tilespmem:s23], [sflag:$0x8], $0x2800, $0x38;
	[tilespmem:$0xD400] =	vst v63  }
0x6a: {  	_ =	swait.ge [sflag:s28], $0x2800  }
0x6b: {  	[sflag:s28] =	ssyncset.done $0x0  }
0x6c: {  	[sflag:s28] =	ssyncadd.s32 $0xFFFFD800  }
0x6d: {  	_ =	swait.ge [sflag:s29], $0x2800  }
0x6e: {  	[sflag:s29] =	ssyncset.done $0x0  }
0x6f: {  	[sflag:s29] =	ssyncadd.s32 $0xFFFFD800  }
0x70: {  	_ =	swait.ge [sflag:s30], $0x2800  }
0x71: {  	[sflag:s30] =	ssyncset.done $0x0  }
0x72: {  	[sflag:s30] =	ssyncadd.s32 $0xFFFFD800  }
0x73: {  	_ =	swait.ge [sflag:s31], $0x2800  }
0x74: {  	[sflag:s31] =	ssyncset.done $0x0  }
0x75: {  	[sflag:s31] =	ssyncadd.s32 $0xFFFFD800  }
0x76: {  	[tilespmem:s17], [sflag:$0x1] =	stream.indirect.gather [hbm4b:s2+s16], $0x80, s15, s16, $0xb8;
	[tilespmem:$0xD400] =	vst v63  }
0x77: {  	s0 =	simm.s32 $0xC80  }
0x78: {  	[tilespmem:s19], [sflag:$0x2] =	stream.indirect.gather [hbm4b:s2+s16], $0x80, s0, s16, $0xb8;
	[tilespmem:$0xD400] =	vst v63  }
0x79: {  	s7 =	simm.s32 $0xD00  }
0x7a: {  	[tilespmem:s21], [sflag:$0x3] =	stream.indirect.gather [hbm4b:s2+s16], $0x80, s7, s16, $0xb8;
	[tilespmem:$0xD400] =	vst v63  }
0x7b: {  	s18 =	simm.s32 $0xD80;
	s3 =	simm.s32 $0xF80  }
0x7c: {  	[tilespmem:s23], [sflag:$0x4] =	stream.indirect.gather [hbm4b:s2+s16], $0x80, s18, s16, $0xb8;
	[tilespmem:$0xD400] =	vst v63  }
.LBB2_5:
0x7d: {  	_ =	swait.ge [sflag:s24], $0x2800  }
0x7e: {  	p0 =	seq.s32 s22, $0x17C00;
	[sflag:s24] =	ssyncset.done $0x0  }
0x7f: {  	s0 =	sadd.s32 s22, s13;
	s5 =	simm.s32 @p0 $0x2;
	[sflag:s24] =	ssyncadd.s32 $0xFFFFD800  }
0x80: {  	[hbm4b:s0+s4] =	stream.linear.scatter [tilespmem:s17], [sflag:$0x5], $0x2800, $0x38;
	[tilespmem:$0xD400] =	vst v63  }
0x81: {  	_ =	swait.ge @p0 [sflag:s5], $0x2800  }
0x82: {  	[sflag:s5] =	ssyncset.done @p0 $0x0  }
0x83: {  	s6 =	simm.s32 @p0 $0x5C00;
	[sflag:s5] =	ssyncadd.s32 @p0 $0xFFFFD800;
	s5 =	simm.s32 @p0 $0x0  }
0x84: {  	[hbm4b:s10+s5] =	stream.linear.scatter @p0 [tilespmem:s6], [sflag:$0x6], $0x2800, $0x38;
	[tilespmem:$0xD400] =	vst v63  }
0x85: {  	s5 =	simm.s32 @!p0 $0x5  }
0x86: {  	_ =	swait.ge @!p0 [sflag:s5], $0x2800  }
0x87: {  	s7 =	simm.s32 @!p0 $0x3400;
	[sflag:s5] =	ssyncset.done @!p0 $0x0  }
0x88: {  	s6 =	simm.s32 @!p0 $0x50;
	[sflag:s5] =	ssyncadd.s32 @!p0 $0xFFFFD800;
	s5 =	sadd.s32 @!p0 $0xFFFFFE80, s3  }
0x89: {  	[tilespmem:s7], [sflag:$0x1] =	stream.indirect.gather @!p0 [hbm4b:s2+s6], $0x80, s5, s6, $0xb8;
	[tilespmem:$0xD400] =	vst v63  }
0x8a: {  	s5 =	simm.s32 @!p0 $0x2  }
0x8b: {  	_ =	swait.ge @!p0 [sflag:s5], $0x2800  }
0x8c: {  	[sflag:s5] =	ssyncset.done @!p0 $0x0  }
0x8d: {  	[sflag:s5] =	ssyncadd.s32 @!p0 $0xFFFFD800;
	s5 =	sadd.s32 @!p0 s22, s13  }
0x8e: {  	s18 =	simm.s32 @!p0 $0x5C00;
	s7 =	simm.s32 @!p0 $0x0;
	s5 =	sadd.s32 @!p0 $0x500, s5  }
0x8f: {  	[hbm4b:s5+s7] =	stream.linear.scatter @!p0 [tilespmem:s18], [sflag:$0x6], $0x2800, $0x38;
	[tilespmem:$0xD400] =	vst v63  }
0x90: {  	s5 =	simm.s32 @!p0 $0x6  }
0x91: {  	_ =	swait.ge @!p0 [sflag:s5], $0x2800  }
0x92: {  	[sflag:s5] =	ssyncset.done @!p0 $0x0  }
0x93: {  	[sflag:s5] =	ssyncadd.s32 @!p0 $0xFFFFD800;
	s5 =	sadd.s32 @!p0 $0xFFFFFF00, s3  }
0x94: {  	[tilespmem:s18], [sflag:$0x2] =	stream.indirect.gather @!p0 [hbm4b:s2+s6], $0x80, s5, s6, $0xb8;
	[tilespmem:$0xD400] =	vst v63  }
.Ltmp4:
0x95: {  	_ = 	snop;
	(pc) =	sbr.rel @p0 .LBB2_7-.Ltmp4, $4  }
0x96: {  	_ =	swait.ge [sflag:s25], $0x2800  }
0x97: {  	[sflag:s25] =	ssyncset.done $0x0  }
0x98: {  	s18 =	sadd.s32 $0xA00, s0;
	[sflag:s25] =	ssyncadd.s32 $0xFFFFD800  }
0x99: {  	[hbm4b:s18+s4] =	stream.linear.scatter [tilespmem:s21], [sflag:$0x7], $0x2800, $0x38;
	[tilespmem:$0xD400] =	vst v63  }
0x9a: {  	_ =	swait.ge [sflag:s30], $0x2800  }
0x9b: {  	[sflag:s30] =	ssyncset.done $0x0  }
0x9c: {  	s5 =	sadd.s32 $0xFFFFFF80, s3;
	[sflag:s30] =	ssyncadd.s32 $0xFFFFD800  }
0x9d: {  	[tilespmem:s21], [sflag:$0x3] =	stream.indirect.gather [hbm4b:s2+s16], $0x80, s5, s16, $0xb8;
	[tilespmem:$0xD400] =	vst v63  }
0x9e: {  	_ =	swait.ge [sflag:s26], $0x2800  }
0x9f: {  	[sflag:s26] =	ssyncset.done $0x0  }
0xa0: {  	s0 =	sadd.s32 $0xF00, s0;
	[sflag:s26] =	ssyncadd.s32 $0xFFFFD800  }
0xa1: {  	[hbm4b:s0+s4] =	stream.linear.scatter [tilespmem:s23], [sflag:$0x8], $0x2800, $0x38;
	[tilespmem:$0xD400] =	vst v63  }
.Ltmp5:
0xa2: {  	_ =	swait.ge [sflag:s31], $0x2800;
	(pc) =	sbr.rel .LBB2_5-.Ltmp5, $4  }
0xa3: {  	[sflag:s31] =	ssyncset.done $0x0  }
0xa4: {  	[sflag:s31] =	ssyncadd.s32 $0xFFFFD800  }
0xa5: {  	[tilespmem:s23], [sflag:$0x4] =	stream.indirect.gather [hbm4b:s2+s16], $0x80, s3, s16, $0xb8;
	[tilespmem:$0xD400] =	vst v63  }
0xa6: {  	s22 =	sadd.s32 $0x1400, s22;
	s3 =	sadd.s32 $0x200, s3  }
.LBB2_8:
0xa7: {  	_ =	sfence.sel $0x180000  }
0xa8: {  	[bflag:$0x0] =	sbarrier.arrive $0xFFFF  }
0xa9: {  	_ =	strace $0x90000047  }
0xaa: {  	s0 =	stileid.u32;
	[bflag:$0x2] =	sbarrier.arrive $0xFFFF  }
0xab: {  	p0 =	sne.s32 s0, $0x0;
	s0 =	rddreg [dreg:$0x5]  }
0xac: {  	s0 =	sadd.s32 @!p0 $0x100000, s0  }
0xad: {  	[sflag:s0] =	ssyncadd.tile.s32 @!p0 $0x1;
	_ =	shalt  }
.Lfunc_end2:
_tile_overlayer_lowered:
.L_overlay_start_2:
0xae: {  	(tag) =	ssettag $0x2  }
0xaf: {  	s0 =	rddreg [dreg:$0x0];
	s2 =	stileid.u32  }
0xb0: {  	s1 =	rddreg [dreg:$0x1];
	p0 =	sne.s32 s2, $0x0  }
0xb1: {  	s3 =	rddreg [dreg:$0x2];
	[bflag:$0x3] =	sbarrier.arrive $0xFFFF;
	s2 =	simm.s32 @!p0 $0x1C09  }
0xb2: {  	[timem:s3], [sflag:s2] =	dma.local @!p0 [hbm:s0], s1  }
0xb3: {  	s0 =	simm.s32 @!p0 $0x9  }
0xb4: {  	_ =	swait.ge @!p0 [sflag:s0], s1  }
0xb5: {  	s1 =	ssub.s32 @!p0 $0x0, s1;
	[sflag:s0] =	ssyncset.done @!p0 $0x0  }
0xb6: {  	[sflag:s0] =	ssyncadd.s32 @!p0 s1  }
0xb7: {  	[bflag:$0x3] =	sbarrier.arrive $0xFFFF  }
0xb8: {  	_ =	shalt  }

</sc_bundles>
